<compile_context>
chip_gen: v7x
topology: tpu7x:2x2x1
jax: 0.10.2.dev20260603
libtpu: 0.0.44.dev20260713+nightly
codegen_flags: <defaults>
</compile_context>

<pallas_src>
import functools

import jax
import jax.numpy as jnp
from jax import lax
from jax.experimental import pallas as pl
from jax.experimental.pallas import tpu as pltpu
from jax.experimental.pallas import tpu_sc as plsc

PAD_ID = 1
EPS = 1e-5
NC, NS = 2, 16
NW = NC * NS
SC_CHUNK = 128


def _sc_word_gather(idx_flat, table):
    n = idx_flat.shape[0]
    d = table.shape[1]
    b_per_w = n // NW
    nch = b_per_w // SC_CHUNK
    mesh = plsc.VectorSubcoreMesh(core_axis_name="c", subcore_axis_name="s")

    @functools.partial(
        pl.kernel,
        out_type=jax.ShapeDtypeStruct((n, d), jnp.float32),
        mesh=mesh,
        scratch_types=[
            pltpu.VMEM((b_per_w,), jnp.int32),
            pltpu.VMEM((SC_CHUNK, d), jnp.float32),
            pltpu.SemaphoreType.DMA,
        ],
    )
    def gather_kernel(idx_hbm, table_hbm, out_hbm, idx_v, rows_v, sem):
        wid = lax.axis_index("s") * NC + lax.axis_index("c")
        base = wid * b_per_w
        pltpu.sync_copy(idx_hbm.at[pl.ds(base, b_per_w)], idx_v)

        def body(i, carry):
            off = i * SC_CHUNK
            pltpu.async_copy(
                table_hbm.at[idx_v.at[pl.ds(off, SC_CHUNK)]], rows_v,
                sem).wait()
            pltpu.sync_copy(rows_v, out_hbm.at[pl.ds(base + off, SC_CHUNK)])
            return carry

        lax.fori_loop(0, nch, body, 0)

    return gather_kernel(idx_flat, table)


def _tc_finish(x_col, h_word, tri, w_pos_b, gamma, beta, out_buf, row0, B):
    Bg, S, _ = x_col.shape
    P, D = w_pos_b.shape
    inv_d = 1.0 / D

    def body(x_ref, hw_ref, tri_ref, wpos_ref, g_ref, b_ref, *rest):
        out_ref = rest[-1]
        xc = x_ref[0]
        maskf = (xc != PAD_ID).astype(jnp.float32)
        cnt = jnp.dot(tri_ref[...], maskf, preferred_element_type=jnp.float32)
        pos = cnt * maskf + 1.0
        pos_i = pos.astype(jnp.int32)
        ph = lax.broadcasted_iota(jnp.int32, (S, P), 1)
        oh = (pos_i == ph).astype(jnp.float32)
        pe = jnp.dot(oh, wpos_ref[...], preferred_element_type=jnp.float32)
        h = hw_ref[0] + pe
        mean = jnp.sum(h, axis=-1, keepdims=True) * inv_d
        msq = jnp.sum(h * h, axis=-1, keepdims=True) * inv_d
        s = lax.rsqrt(msq - mean * mean + EPS)
        out_ref[0] = ((h - mean) * s) * g_ref[...] + b_ref[...]

    in_specs = [
        pl.BlockSpec((1, S, 1), lambda b: (b, 0, 0)),
        pl.BlockSpec((1, S, D), lambda b: (b, 0, 0)),
        pl.BlockSpec((S, S), lambda b: (0, 0)),
        pl.BlockSpec((P, D), lambda b: (0, 0)),
        pl.BlockSpec((1, D), lambda b: (0, 0)),
        pl.BlockSpec((1, D), lambda b: (0, 0)),
    ]
    args = [x_col, h_word, tri, w_pos_b, gamma, beta]
    aliases = {}
    if out_buf is not None:
        in_specs.append(pl.BlockSpec(memory_space=pl.ANY))
        args.append(out_buf)
        aliases = {len(args) - 1: 0}
    blk0 = row0 // 1
    return pl.pallas_call(
        body,
        grid=(Bg,),
        in_specs=in_specs,
        out_specs=pl.BlockSpec((1, S, D), lambda b: (blk0 + b, 0, 0)),
        out_shape=jax.ShapeDtypeStruct((B, S, D), jnp.float32),
        input_output_aliases=aliases,
    )(*args)


N_GROUPS = 4


def kernel(x, W_word, W_pos, W_type, gamma, beta):
    B, S = x.shape
    D = W_word.shape[1]
    xi = x.astype(jnp.int32)
    r = lax.broadcasted_iota(jnp.int32, (S, S), 0)
    c = lax.broadcasted_iota(jnp.int32, (S, S), 1)
    tri = (c <= r).astype(jnp.float32)
    P = W_pos.shape[0]
    P_pad = ((P + 15) // 16) * 16
    w_pos_b = jnp.pad(W_pos + W_type[0], ((0, P_pad - P), (0, 0)))
    g2 = gamma.reshape(1, D)
    b2 = beta.reshape(1, D)
    x_col = xi.reshape(B, S, 1)

    sizes = [16, 32, 40, 40]
    out = None
    row = 0
    for bg in sizes:
        sl = slice(row, row + bg)
        hw_g = _sc_word_gather(
            xi[sl].reshape(bg * S), W_word).reshape(bg, S, D)
        out = _tc_finish(x_col[sl], hw_g, tri, w_pos_b, g2, b2,
                         out, row, B)
        row += bg
    return out

# --- scband reference (transcript-rebuilt; emitter-appended) ---
"""Pipeline reference for scband-roberta-embeddings-8254927143235 (READ-ONLY COPY).

The authoritative reference and input builder live on the scoring server;
editing this copy changes nothing except your own understanding.
"""

import jax, jax.numpy as jnp
import numpy as np

VOCAB = 50265
MAX_SEQ = 514
PAD = 1
D = 768
EPS = 1e-5


def setup_inputs(seed: int = 0) -> dict:
    key = jax.random.key(seed)
    k1, k2, k3 = jax.random.split(key, 3)
    B, S = 128, 512
    x = jax.random.randint(k1, (B, S), 0, VOCAB)
    W_word = (jax.random.normal(k2, (VOCAB, D), dtype=jnp.float32) * 0.02).at[PAD].set(0.0)
    W_pos = (jax.random.normal(k3, (MAX_SEQ, D), dtype=jnp.float32) * 0.02).at[PAD].set(0.0)
    # type_vocab_size == 1 with padding_idx=0 -> the single row is zeroed in torch init
    W_type = jnp.zeros((1, D), dtype=jnp.float32)
    gamma = jnp.ones((D,), dtype=jnp.float32)
    beta = jnp.zeros((D,), dtype=jnp.float32)
    return {"x": x, "W_word": W_word, "W_pos": W_pos, "W_type": W_type, "gamma": gamma, "beta": beta}


def reference(x, W_word, W_pos, W_type, gamma, beta):
    # create_pos_ids
    mask = (x != PAD).astype(jnp.int32)
    pos_ids = jnp.cumsum(mask, axis=1) * mask + PAD
    S = x.shape[1]
    type_ids = jnp.zeros((S,), dtype=jnp.int32)
    # embedding lookups (gather)
    h = jnp.take(W_word, x, axis=0) + jnp.take(W_pos, pos_ids, axis=0) + jnp.take(W_type, type_ids, axis=0)
    # LayerNorm over last dim
    mean = jnp.mean(h, axis=-1, keepdims=True)
    var = jnp.mean((h - mean) ** 2, axis=-1, keepdims=True)
    out = (h - mean) / jnp.sqrt(var + EPS) * gamma + beta
    return out

if __name__ == "__main__":
    import jax
    _d = setup_inputs()
    print(jax.jit(kernel)(*tuple(_d.values())))

</pallas_src>

<mosaic_0001>
#map = affine_map<(d0, d1) -> (0)>
#map1 = affine_map<(d0, d1) -> (0, 0)>
module attributes {stable_mosaic.version = 14 : i64} {
  func.func @gather_kernel(%arg0: i32, %arg1: i32, %arg2: memref<20480xi32, #tpu.memory_space<hbm>>, %arg3: memref<50265x768xf32, #tpu.memory_space<hbm>>, %arg4: memref<20480x768xf32, #tpu.memory_space<hbm>>, %arg5: memref<640xi32, #tpu.memory_space<vmem>>, %arg6: memref<128x768xf32, #tpu.memory_space<vmem>>, %arg7: memref<!tpu.dma_semaphore, #tpu.memory_space<semaphore_mem>>) attributes {dimension_semantics = [#tpu.dimension_semantics<core_parallel>, #tpu.dimension_semantics<subcore_parallel>], iteration_bounds = array<i64: 2, 16>, scalar_prefetch = 0 : i64, scratch_operands = 3 : i64, tpu.core_type = #tpu.core_type<sc_vector_subcore>, window_params = [{transform_indices = #map}, {transform_indices = #map1}, {transform_indices = #map1}]} {
    %mul3A = arith.constant 2 : i32
    %mul3A_0 = arith.muli %arg1, %mul3A : i32
    %add3A = arith.addi %mul3A_0, %arg0 : i32
    %mul3A_1 = arith.constant 640 : i32
    %mul3A_2 = arith.muli %add3A, %mul3A_1 : i32
    "tpu.region"() ({
      %run_scoped3A = tpu.sem_alloc : memref<!tpu.dma_semaphore, #tpu.memory_space<semaphore_mem>>
      %dma_start3A = tpu.memref_slice %arg2[%mul3A_2] : memref<20480xi32, #tpu.memory_space<hbm>> -> memref<640xi32, #tpu.memory_space<hbm>>
      %dma_start3A_8 = tpu.memref_slice %arg2[%mul3A_2] : memref<20480xi32, #tpu.memory_space<hbm>> -> memref<640xi32, #tpu.memory_space<hbm>>
      tpu.enqueue_dma source(%dma_start3A_8 : memref<640xi32, #tpu.memory_space<hbm>>) target(%arg5 : memref<640xi32, #tpu.memory_space<vmem>>) target_semaphore(%run_scoped3A : memref<!tpu.dma_semaphore, #tpu.memory_space<semaphore_mem>>)
      %dma_wait3A = tpu.memref_slice %arg2[%mul3A_2] : memref<20480xi32, #tpu.memory_space<hbm>> -> memref<640xi32, #tpu.memory_space<hbm>>
      %dma_wait3A_9 = tpu.memref_slice %arg2[%mul3A_2] : memref<20480xi32, #tpu.memory_space<hbm>> -> memref<640xi32, #tpu.memory_space<hbm>>
      tpu.wait_dma2 semaphore(%run_scoped3A : memref<!tpu.dma_semaphore, #tpu.memory_space<semaphore_mem>>) src(%dma_wait3A_9 : memref<640xi32, #tpu.memory_space<hbm>>) dst(%arg5 : memref<640xi32, #tpu.memory_space<vmem>>)
      tpu.yield
    }) : () -> ()
    %scan3A = arith.constant 0 : i32
    %scan3A_3 = arith.constant 0 : i32
    %scan3A_4 = arith.constant 5 : i32
    %scan3A_5 = arith.addi %scan3A_3, %scan3A_4 : i32
    %scan3A_6 = arith.constant 1 : i32
    scf.for %scan3A_8 = %scan3A_3 to %scan3A_5 step %scan3A_6  : i32 {
      %mul3A_9 = arith.constant 128 : i32
      %mul3A_10 = arith.muli %scan3A_8, %mul3A_9 : i32
      %dma_start3A = tpu.memref_slice %arg5[%mul3A_10] : memref<640xi32, #tpu.memory_space<vmem>> -> memref<128xi32, #tpu.memory_space<vmem>>
      %dma_start3A_11 = arith.constant 0 : i32
      %dma_start3A_12 = arith.constant 0 : i32
      %dma_start3A_13 = tpu.memref_slice %arg3[%dma_start3A_11, %dma_start3A_12] : memref<50265x768xf32, #tpu.memory_space<hbm>> -> memref<50265x768xf32, #tpu.memory_space<hbm>>
      tpu.enqueue_indirect_dma source(%dma_start3A_13 : memref<50265x768xf32, #tpu.memory_space<hbm>>) target(%arg6 : memref<128x768xf32, #tpu.memory_space<vmem>>) offsets(%dma_start3A : memref<128xi32, #tpu.memory_space<vmem>>) semaphore(%arg7 : memref<!tpu.dma_semaphore, #tpu.memory_space<semaphore_mem>>)
      %dma_wait3A = tpu.memref_slice %arg5[%mul3A_10] : memref<640xi32, #tpu.memory_space<vmem>> -> memref<128xi32, #tpu.memory_space<vmem>>
      %dma_wait3A_14 = arith.constant 0 : i32
      %dma_wait3A_15 = arith.constant 0 : i32
      %dma_wait3A_16 = tpu.memref_slice %arg3[%dma_wait3A_14, %dma_wait3A_15] : memref<50265x768xf32, #tpu.memory_space<hbm>> -> memref<50265x768xf32, #tpu.memory_space<hbm>>
      tpu.wait_indirect_dma semaphore(%arg7 : memref<!tpu.dma_semaphore, #tpu.memory_space<semaphore_mem>>) src(%dma_wait3A_16 : memref<50265x768xf32, #tpu.memory_space<hbm>>) dst(%arg6 : memref<128x768xf32, #tpu.memory_space<vmem>>)
      %add3A_17 = arith.addi %mul3A_2, %mul3A_10 : i32
      "tpu.region"() ({
        %run_scoped3A = tpu.sem_alloc : memref<!tpu.dma_semaphore, #tpu.memory_space<semaphore_mem>>
        %dma_start3A_18 = arith.constant 0 : i32
        %dma_start3A_19 = tpu.memref_slice %arg4[%add3A_17, %dma_start3A_18] : memref<20480x768xf32, #tpu.memory_space<hbm>> -> memref<128x768xf32, #tpu.memory_space<hbm>>
        %dma_start3A_20 = arith.constant 0 : i32
        %dma_start3A_21 = tpu.memref_slice %arg4[%add3A_17, %dma_start3A_20] : memref<20480x768xf32, #tpu.memory_space<hbm>> -> memref<128x768xf32, #tpu.memory_space<hbm>>
        tpu.enqueue_dma source(%arg6 : memref<128x768xf32, #tpu.memory_space<vmem>>) target(%dma_start3A_21 : memref<128x768xf32, #tpu.memory_space<hbm>>) target_semaphore(%run_scoped3A : memref<!tpu.dma_semaphore, #tpu.memory_space<semaphore_mem>>)
        %dma_wait3A_22 = arith.constant 0 : i32
        %dma_wait3A_23 = tpu.memref_slice %arg4[%add3A_17, %dma_wait3A_22] : memref<20480x768xf32, #tpu.memory_space<hbm>> -> memref<128x768xf32, #tpu.memory_space<hbm>>
        %dma_wait3A_24 = arith.constant 0 : i32
        %dma_wait3A_25 = tpu.memref_slice %arg4[%add3A_17, %dma_wait3A_24] : memref<20480x768xf32, #tpu.memory_space<hbm>> -> memref<128x768xf32, #tpu.memory_space<hbm>>
        tpu.wait_dma2 semaphore(%run_scoped3A : memref<!tpu.dma_semaphore, #tpu.memory_space<semaphore_mem>>) src(%arg6 : memref<128x768xf32, #tpu.memory_space<vmem>>) dst(%dma_wait3A_25 : memref<128x768xf32, #tpu.memory_space<hbm>>)
        tpu.yield
      }) : () -> ()
    }
    %scan3A_7 = arith.constant 5 : i32
    return
  }
}

#map = affine_map<(d0, d1) -> (0)>
#map1 = affine_map<(d0, d1) -> (0, 0)>
module attributes {stable_mosaic.version = 14 : i64} {
  func.func @gather_kernel(%arg0: i32, %arg1: i32, %arg2: memref<20480xi32, #tpu.memory_space<hbm>>, %arg3: memref<50265x768xf32, #tpu.memory_space<hbm>>, %arg4: memref<20480x768xf32, #tpu.memory_space<hbm>>, %arg5: memref<640xi32, #tpu.memory_space<vmem>>, %arg6: memref<128x768xf32, #tpu.memory_space<vmem>>, %arg7: memref<!tpu.dma_semaphore, #tpu.memory_space<semaphore_mem>>) attributes {dimension_semantics = [#tpu.dimension_semantics<core_parallel>, #tpu.dimension_semantics<subcore_parallel>], iteration_bounds = array<i64: 2, 16>, scalar_prefetch = 0 : i64, scratch_operands = 3 : i64, tpu.core_type = #tpu.core_type<sc_vector_subcore>, window_params = [{transform_indices = #map}, {transform_indices = #map1}, {transform_indices = #map1}]} {
    %mul3A = arith.constant 2 : i32
    %mul3A_0 = arith.muli %arg1, %mul3A : i32
    %add3A = arith.addi %mul3A_0, %arg0 : i32
    %mul3A_1 = arith.constant 640 : i32
    %mul3A_2 = arith.muli %add3A, %mul3A_1 : i32
    "tpu.region"() ({
      %run_scoped3A = tpu.sem_alloc : memref<!tpu.dma_semaphore, #tpu.memory_space<semaphore_mem>>
      %dma_start3A = tpu.memref_slice %arg2[%mul3A_2] : memref<20480xi32, #tpu.memory_space<hbm>> -> memref<640xi32, #tpu.memory_space<hbm>>
      %dma_start3A_8 = tpu.memref_slice %arg2[%mul3A_2] : memref<20480xi32, #tpu.memory_space<hbm>> -> memref<640xi32, #tpu.memory_space<hbm>>
      tpu.enqueue_dma source(%dma_start3A_8 : memref<640xi32, #tpu.memory_space<hbm>>) target(%arg5 : memref<640xi32, #tpu.memory_space<vmem>>) target_semaphore(%run_scoped3A : memref<!tpu.dma_semaphore, #tpu.memory_space<semaphore_mem>>)
      %dma_wait3A = tpu.memref_slice %arg2[%mul3A_2] : memref<20480xi32, #tpu.memory_space<hbm>> -> memref<640xi32, #tpu.memory_space<hbm>>
      %dma_wait3A_9 = tpu.memref_slice %arg2[%mul3A_2] : memref<20480xi32, #tpu.memory_space<hbm>> -> memref<640xi32, #tpu.memory_space<hbm>>
      tpu.wait_dma2 semaphore(%run_scoped3A : memref<!tpu.dma_semaphore, #tpu.memory_space<semaphore_mem>>) src(%dma_wait3A_9 : memref<640xi32, #tpu.memory_space<hbm>>) dst(%arg5 : memref<640xi32, #tpu.memory_space<vmem>>)
      tpu.yield
    }) : () -> ()
    %scan3A = arith.constant 0 : i32
    %scan3A_3 = arith.constant 0 : i32
    %scan3A_4 = arith.constant 5 : i32
    %scan3A_5 = arith.addi %scan3A_3, %scan3A_4 : i32
    %scan3A_6 = arith.constant 1 : i32
    scf.for %scan3A_8 = %scan3A_3 to %scan3A_5 step %scan3A_6  : i32 {
      %mul3A_9 = arith.constant 128 : i32
      %mul3A_10 = arith.muli %scan3A_8, %mul3A_9 : i32
      %dma_start3A = tpu.memref_slice %arg5[%mul3A_10] : memref<640xi32, #tpu.memory_space<vmem>> -> memref<128xi32, #tpu.memory_space<vmem>>
      %dma_start3A_11 = arith.constant 0 : i32
      %dma_start3A_12 = arith.constant 0 : i32
      %dma_start3A_13 = tpu.memref_slice %arg3[%dma_start3A_11, %dma_start3A_12] : memref<50265x768xf32, #tpu.memory_space<hbm>> -> memref<50265x768xf32, #tpu.memory_space<hbm>>
      tpu.enqueue_indirect_dma source(%dma_start3A_13 : memref<50265x768xf32, #tpu.memory_space<hbm>>) target(%arg6 : memref<128x768xf32, #tpu.memory_space<vmem>>) offsets(%dma_start3A : memref<128xi32, #tpu.memory_space<vmem>>) semaphore(%arg7 : memref<!tpu.dma_semaphore, #tpu.memory_space<semaphore_mem>>)
      %dma_wait3A = tpu.memref_slice %arg5[%mul3A_10] : memref<640xi32, #tpu.memory_space<vmem>> -> memref<128xi32, #tpu.memory_space<vmem>>
      %dma_wait3A_14 = arith.constant 0 : i32
      %dma_wait3A_15 = arith.constant 0 : i32
      %dma_wait3A_16 = tpu.memref_slice %arg3[%dma_wait3A_14, %dma_wait3A_15] : memref<50265x768xf32, #tpu.memory_space<hbm>> -> memref<50265x768xf32, #tpu.memory_space<hbm>>
      tpu.wait_indirect_dma semaphore(%arg7 : memref<!tpu.dma_semaphore, #tpu.memory_space<semaphore_mem>>) src(%dma_wait3A_16 : memref<50265x768xf32, #tpu.memory_space<hbm>>) dst(%arg6 : memref<128x768xf32, #tpu.memory_space<vmem>>)
      %add3A_17 = arith.addi %mul3A_2, %mul3A_10 : i32
      "tpu.region"() ({
        %run_scoped3A = tpu.sem_alloc : memref<!tpu.dma_semaphore, #tpu.memory_space<semaphore_mem>>
        %dma_start3A_18 = arith.constant 0 : i32
        %dma_start3A_19 = tpu.memref_slice %arg4[%add3A_17, %dma_start3A_18] : memref<20480x768xf32, #tpu.memory_space<hbm>> -> memref<128x768xf32, #tpu.memory_space<hbm>>
        %dma_start3A_20 = arith.constant 0 : i32
        %dma_start3A_21 = tpu.memref_slice %arg4[%add3A_17, %dma_start3A_20] : memref<20480x768xf32, #tpu.memory_space<hbm>> -> memref<128x768xf32, #tpu.memory_space<hbm>>
        tpu.enqueue_dma source(%arg6 : memref<128x768xf32, #tpu.memory_space<vmem>>) target(%dma_start3A_21 : memref<128x768xf32, #tpu.memory_space<hbm>>) target_semaphore(%run_scoped3A : memref<!tpu.dma_semaphore, #tpu.memory_space<semaphore_mem>>)
        %dma_wait3A_22 = arith.constant 0 : i32
        %dma_wait3A_23 = tpu.memref_slice %arg4[%add3A_17, %dma_wait3A_22] : memref<20480x768xf32, #tpu.memory_space<hbm>> -> memref<128x768xf32, #tpu.memory_space<hbm>>
        %dma_wait3A_24 = arith.constant 0 : i32
        %dma_wait3A_25 = tpu.memref_slice %arg4[%add3A_17, %dma_wait3A_24] : memref<20480x768xf32, #tpu.memory_space<hbm>> -> memref<128x768xf32, #tpu.memory_space<hbm>>
        tpu.wait_dma2 semaphore(%run_scoped3A : memref<!tpu.dma_semaphore, #tpu.memory_space<semaphore_mem>>) src(%arg6 : memref<128x768xf32, #tpu.memory_space<vmem>>) dst(%dma_wait3A_25 : memref<128x768xf32, #tpu.memory_space<hbm>>)
        tpu.yield
      }) : () -> ()
    }
    %scan3A_7 = arith.constant 5 : i32
    return
  }
}

#map = affine_map<(d0, d1) -> (0)>
#map1 = affine_map<(d0, d1) -> (0, 0)>
module attributes {stable_mosaic.version = 14 : i64} {
  func.func @gather_kernel(%arg0: i32, %arg1: i32, %arg2: memref<16384xi32, #tpu.memory_space<hbm>>, %arg3: memref<50265x768xf32, #tpu.memory_space<hbm>>, %arg4: memref<16384x768xf32, #tpu.memory_space<hbm>>, %arg5: memref<512xi32, #tpu.memory_space<vmem>>, %arg6: memref<128x768xf32, #tpu.memory_space<vmem>>, %arg7: memref<!tpu.dma_semaphore, #tpu.memory_space<semaphore_mem>>) attributes {dimension_semantics = [#tpu.dimension_semantics<core_parallel>, #tpu.dimension_semantics<subcore_parallel>], iteration_bounds = array<i64: 2, 16>, scalar_prefetch = 0 : i64, scratch_operands = 3 : i64, tpu.core_type = #tpu.core_type<sc_vector_subcore>, window_params = [{transform_indices = #map}, {transform_indices = #map1}, {transform_indices = #map1}]} {
    %mul3A = arith.constant 2 : i32
    %mul3A_0 = arith.muli %arg1, %mul3A : i32
    %add3A = arith.addi %mul3A_0, %arg0 : i32
    %mul3A_1 = arith.constant 512 : i32
    %mul3A_2 = arith.muli %add3A, %mul3A_1 : i32
    "tpu.region"() ({
      %run_scoped3A = tpu.sem_alloc : memref<!tpu.dma_semaphore, #tpu.memory_space<semaphore_mem>>
      %dma_start3A = tpu.memref_slice %arg2[%mul3A_2] : memref<16384xi32, #tpu.memory_space<hbm>> -> memref<512xi32, #tpu.memory_space<hbm>>
      %dma_start3A_8 = tpu.memref_slice %arg2[%mul3A_2] : memref<16384xi32, #tpu.memory_space<hbm>> -> memref<512xi32, #tpu.memory_space<hbm>>
      tpu.enqueue_dma source(%dma_start3A_8 : memref<512xi32, #tpu.memory_space<hbm>>) target(%arg5 : memref<512xi32, #tpu.memory_space<vmem>>) target_semaphore(%run_scoped3A : memref<!tpu.dma_semaphore, #tpu.memory_space<semaphore_mem>>)
      %dma_wait3A = tpu.memref_slice %arg2[%mul3A_2] : memref<16384xi32, #tpu.memory_space<hbm>> -> memref<512xi32, #tpu.memory_space<hbm>>
      %dma_wait3A_9 = tpu.memref_slice %arg2[%mul3A_2] : memref<16384xi32, #tpu.memory_space<hbm>> -> memref<512xi32, #tpu.memory_space<hbm>>
      tpu.wait_dma2 semaphore(%run_scoped3A : memref<!tpu.dma_semaphore, #tpu.memory_space<semaphore_mem>>) src(%dma_wait3A_9 : memref<512xi32, #tpu.memory_space<hbm>>) dst(%arg5 : memref<512xi32, #tpu.memory_space<vmem>>)
      tpu.yield
    }) : () -> ()
    %scan3A = arith.constant 0 : i32
    %scan3A_3 = arith.constant 0 : i32
    %scan3A_4 = arith.constant 4 : i32
    %scan3A_5 = arith.addi %scan3A_3, %scan3A_4 : i32
    %scan3A_6 = arith.constant 1 : i32
    scf.for %scan3A_8 = %scan3A_3 to %scan3A_5 step %scan3A_6  : i32 {
      %mul3A_9 = arith.constant 128 : i32
      %mul3A_10 = arith.muli %scan3A_8, %mul3A_9 : i32
      %dma_start3A = tpu.memref_slice %arg5[%mul3A_10] : memref<512xi32, #tpu.memory_space<vmem>> -> memref<128xi32, #tpu.memory_space<vmem>>
      %dma_start3A_11 = arith.constant 0 : i32
      %dma_start3A_12 = arith.constant 0 : i32
      %dma_start3A_13 = tpu.memref_slice %arg3[%dma_start3A_11, %dma_start3A_12] : memref<50265x768xf32, #tpu.memory_space<hbm>> -> memref<50265x768xf32, #tpu.memory_space<hbm>>
      tpu.enqueue_indirect_dma source(%dma_start3A_13 : memref<50265x768xf32, #tpu.memory_space<hbm>>) target(%arg6 : memref<128x768xf32, #tpu.memory_space<vmem>>) offsets(%dma_start3A : memref<128xi32, #tpu.memory_space<vmem>>) semaphore(%arg7 : memref<!tpu.dma_semaphore, #tpu.memory_space<semaphore_mem>>)
      %dma_wait3A = tpu.memref_slice %arg5[%mul3A_10] : memref<512xi32, #tpu.memory_space<vmem>> -> memref<128xi32, #tpu.memory_space<vmem>>
      %dma_wait3A_14 = arith.constant 0 : i32
      %dma_wait3A_15 = arith.constant 0 : i32
      %dma_wait3A_16 = tpu.memref_slice %arg3[%dma_wait3A_14, %dma_wait3A_15] : memref<50265x768xf32, #tpu.memory_space<hbm>> -> memref<50265x768xf32, #tpu.memory_space<hbm>>
      tpu.wait_indirect_dma semaphore(%arg7 : memref<!tpu.dma_semaphore, #tpu.memory_space<semaphore_mem>>) src(%dma_wait3A_16 : memref<50265x768xf32, #tpu.memory_space<hbm>>) dst(%arg6 : memref<128x768xf32, #tpu.memory_space<vmem>>)
      %add3A_17 = arith.addi %mul3A_2, %mul3A_10 : i32
      "tpu.region"() ({
        %run_scoped3A = tpu.sem_alloc : memref<!tpu.dma_semaphore, #tpu.memory_space<semaphore_mem>>
        %dma_start3A_18 = arith.constant 0 : i32
        %dma_start3A_19 = tpu.memref_slice %arg4[%add3A_17, %dma_start3A_18] : memref<16384x768xf32, #tpu.memory_space<hbm>> -> memref<128x768xf32, #tpu.memory_space<hbm>>
        %dma_start3A_20 = arith.constant 0 : i32
        %dma_start3A_21 = tpu.memref_slice %arg4[%add3A_17, %dma_start3A_20] : memref<16384x768xf32, #tpu.memory_space<hbm>> -> memref<128x768xf32, #tpu.memory_space<hbm>>
        tpu.enqueue_dma source(%arg6 : memref<128x768xf32, #tpu.memory_space<vmem>>) target(%dma_start3A_21 : memref<128x768xf32, #tpu.memory_space<hbm>>) target_semaphore(%run_scoped3A : memref<!tpu.dma_semaphore, #tpu.memory_space<semaphore_mem>>)
        %dma_wait3A_22 = arith.constant 0 : i32
        %dma_wait3A_23 = tpu.memref_slice %arg4[%add3A_17, %dma_wait3A_22] : memref<16384x768xf32, #tpu.memory_space<hbm>> -> memref<128x768xf32, #tpu.memory_space<hbm>>
        %dma_wait3A_24 = arith.constant 0 : i32
        %dma_wait3A_25 = tpu.memref_slice %arg4[%add3A_17, %dma_wait3A_24] : memref<16384x768xf32, #tpu.memory_space<hbm>> -> memref<128x768xf32, #tpu.memory_space<hbm>>
        tpu.wait_dma2 semaphore(%run_scoped3A : memref<!tpu.dma_semaphore, #tpu.memory_space<semaphore_mem>>) src(%arg6 : memref<128x768xf32, #tpu.memory_space<vmem>>) dst(%dma_wait3A_25 : memref<128x768xf32, #tpu.memory_space<hbm>>)
        tpu.yield
      }) : () -> ()
    }
    %scan3A_7 = arith.constant 4 : i32
    return
  }
}

#map = affine_map<(d0, d1) -> (0)>
#map1 = affine_map<(d0, d1) -> (0, 0)>
module attributes {stable_mosaic.version = 14 : i64} {
  func.func @gather_kernel(%arg0: i32, %arg1: i32, %arg2: memref<8192xi32, #tpu.memory_space<hbm>>, %arg3: memref<50265x768xf32, #tpu.memory_space<hbm>>, %arg4: memref<8192x768xf32, #tpu.memory_space<hbm>>, %arg5: memref<256xi32, #tpu.memory_space<vmem>>, %arg6: memref<128x768xf32, #tpu.memory_space<vmem>>, %arg7: memref<!tpu.dma_semaphore, #tpu.memory_space<semaphore_mem>>) attributes {dimension_semantics = [#tpu.dimension_semantics<core_parallel>, #tpu.dimension_semantics<subcore_parallel>], iteration_bounds = array<i64: 2, 16>, scalar_prefetch = 0 : i64, scratch_operands = 3 : i64, tpu.core_type = #tpu.core_type<sc_vector_subcore>, window_params = [{transform_indices = #map}, {transform_indices = #map1}, {transform_indices = #map1}]} {
    %mul3A = arith.constant 2 : i32
    %mul3A_0 = arith.muli %arg1, %mul3A : i32
    %add3A = arith.addi %mul3A_0, %arg0 : i32
    %mul3A_1 = arith.constant 256 : i32
    %mul3A_2 = arith.muli %add3A, %mul3A_1 : i32
    "tpu.region"() ({
      %run_scoped3A = tpu.sem_alloc : memref<!tpu.dma_semaphore, #tpu.memory_space<semaphore_mem>>
      %dma_start3A = tpu.memref_slice %arg2[%mul3A_2] : memref<8192xi32, #tpu.memory_space<hbm>> -> memref<256xi32, #tpu.memory_space<hbm>>
      %dma_start3A_8 = tpu.memref_slice %arg2[%mul3A_2] : memref<8192xi32, #tpu.memory_space<hbm>> -> memref<256xi32, #tpu.memory_space<hbm>>
      tpu.enqueue_dma source(%dma_start3A_8 : memref<256xi32, #tpu.memory_space<hbm>>) target(%arg5 : memref<256xi32, #tpu.memory_space<vmem>>) target_semaphore(%run_scoped3A : memref<!tpu.dma_semaphore, #tpu.memory_space<semaphore_mem>>)
      %dma_wait3A = tpu.memref_slice %arg2[%mul3A_2] : memref<8192xi32, #tpu.memory_space<hbm>> -> memref<256xi32, #tpu.memory_space<hbm>>
      %dma_wait3A_9 = tpu.memref_slice %arg2[%mul3A_2] : memref<8192xi32, #tpu.memory_space<hbm>> -> memref<256xi32, #tpu.memory_space<hbm>>
      tpu.wait_dma2 semaphore(%run_scoped3A : memref<!tpu.dma_semaphore, #tpu.memory_space<semaphore_mem>>) src(%dma_wait3A_9 : memref<256xi32, #tpu.memory_space<hbm>>) dst(%arg5 : memref<256xi32, #tpu.memory_space<vmem>>)
      tpu.yield
    }) : () -> ()
    %scan3A = arith.constant 0 : i32
    %scan3A_3 = arith.constant 0 : i32
    %scan3A_4 = arith.constant 2 : i32
    %scan3A_5 = arith.addi %scan3A_3, %scan3A_4 : i32
    %scan3A_6 = arith.constant 1 : i32
    scf.for %scan3A_8 = %scan3A_3 to %scan3A_5 step %scan3A_6  : i32 {
      %mul3A_9 = arith.constant 128 : i32
      %mul3A_10 = arith.muli %scan3A_8, %mul3A_9 : i32
      %dma_start3A = tpu.memref_slice %arg5[%mul3A_10] : memref<256xi32, #tpu.memory_space<vmem>> -> memref<128xi32, #tpu.memory_space<vmem>>
      %dma_start3A_11 = arith.constant 0 : i32
      %dma_start3A_12 = arith.constant 0 : i32
      %dma_start3A_13 = tpu.memref_slice %arg3[%dma_start3A_11, %dma_start3A_12] : memref<50265x768xf32, #tpu.memory_space<hbm>> -> memref<50265x768xf32, #tpu.memory_space<hbm>>
      tpu.enqueue_indirect_dma source(%dma_start3A_13 : memref<50265x768xf32, #tpu.memory_space<hbm>>) target(%arg6 : memref<128x768xf32, #tpu.memory_space<vmem>>) offsets(%dma_start3A : memref<128xi32, #tpu.memory_space<vmem>>) semaphore(%arg7 : memref<!tpu.dma_semaphore, #tpu.memory_space<semaphore_mem>>)
      %dma_wait3A = tpu.memref_slice %arg5[%mul3A_10] : memref<256xi32, #tpu.memory_space<vmem>> -> memref<128xi32, #tpu.memory_space<vmem>>
      %dma_wait3A_14 = arith.constant 0 : i32
      %dma_wait3A_15 = arith.constant 0 : i32
      %dma_wait3A_16 = tpu.memref_slice %arg3[%dma_wait3A_14, %dma_wait3A_15] : memref<50265x768xf32, #tpu.memory_space<hbm>> -> memref<50265x768xf32, #tpu.memory_space<hbm>>
      tpu.wait_indirect_dma semaphore(%arg7 : memref<!tpu.dma_semaphore, #tpu.memory_space<semaphore_mem>>) src(%dma_wait3A_16 : memref<50265x768xf32, #tpu.memory_space<hbm>>) dst(%arg6 : memref<128x768xf32, #tpu.memory_space<vmem>>)
      %add3A_17 = arith.addi %mul3A_2, %mul3A_10 : i32
      "tpu.region"() ({
        %run_scoped3A = tpu.sem_alloc : memref<!tpu.dma_semaphore, #tpu.memory_space<semaphore_mem>>
        %dma_start3A_18 = arith.constant 0 : i32
        %dma_start3A_19 = tpu.memref_slice %arg4[%add3A_17, %dma_start3A_18] : memref<8192x768xf32, #tpu.memory_space<hbm>> -> memref<128x768xf32, #tpu.memory_space<hbm>>
        %dma_start3A_20 = arith.constant 0 : i32
        %dma_start3A_21 = tpu.memref_slice %arg4[%add3A_17, %dma_start3A_20] : memref<8192x768xf32, #tpu.memory_space<hbm>> -> memref<128x768xf32, #tpu.memory_space<hbm>>
        tpu.enqueue_dma source(%arg6 : memref<128x768xf32, #tpu.memory_space<vmem>>) target(%dma_start3A_21 : memref<128x768xf32, #tpu.memory_space<hbm>>) target_semaphore(%run_scoped3A : memref<!tpu.dma_semaphore, #tpu.memory_space<semaphore_mem>>)
        %dma_wait3A_22 = arith.constant 0 : i32
        %dma_wait3A_23 = tpu.memref_slice %arg4[%add3A_17, %dma_wait3A_22] : memref<8192x768xf32, #tpu.memory_space<hbm>> -> memref<128x768xf32, #tpu.memory_space<hbm>>
        %dma_wait3A_24 = arith.constant 0 : i32
        %dma_wait3A_25 = tpu.memref_slice %arg4[%add3A_17, %dma_wait3A_24] : memref<8192x768xf32, #tpu.memory_space<hbm>> -> memref<128x768xf32, #tpu.memory_space<hbm>>
        tpu.wait_dma2 semaphore(%run_scoped3A : memref<!tpu.dma_semaphore, #tpu.memory_space<semaphore_mem>>) src(%arg6 : memref<128x768xf32, #tpu.memory_space<vmem>>) dst(%dma_wait3A_25 : memref<128x768xf32, #tpu.memory_space<hbm>>)
        tpu.yield
      }) : () -> ()
    }
    %scan3A_7 = arith.constant 2 : i32
    return
  }
}

module attributes {stable_mosaic.version = 14 : i64} {
  func.func @body(%arg0: i32, %arg1: memref<1x512x1xi32, #tpu.memory_space<vmem>>, %arg2: memref<1x512x768xf32, #tpu.memory_space<vmem>>, %arg3: memref<512x512xf32, #tpu.memory_space<vmem>>, %arg4: memref<528x768xf32, #tpu.memory_space<vmem>>, %arg5: memref<1x768xf32, #tpu.memory_space<vmem>>, %arg6: memref<1x768xf32, #tpu.memory_space<vmem>>, %arg7: memref<1x512x768xf32, #tpu.memory_space<vmem>>) attributes {dimension_semantics = [#tpu.dimension_semantics<arbitrary>], iteration_bounds = array<i64: 16>, scalar_prefetch = 0 : i64, scratch_operands = 0 : i64, tpu.core_type = #tpu.core_type<tc>, window_params = [{transform_indices = @transform_0, window_bounds = array<i64: 1, 512, 1>}, {transform_indices = @transform_1, window_bounds = array<i64: 1, 512, 768>}, {pipeline_mode = #tpu.pipeline_mode<synchronous>, transform_indices = @transform_2, window_bounds = array<i64: 512, 512>}, {pipeline_mode = #tpu.pipeline_mode<synchronous>, transform_indices = @transform_3, window_bounds = array<i64: 528, 768>}, {pipeline_mode = #tpu.pipeline_mode<synchronous>, transform_indices = @transform_4, window_bounds = array<i64: 1, 768>}, {pipeline_mode = #tpu.pipeline_mode<synchronous>, transform_indices = @transform_5, window_bounds = array<i64: 1, 768>}, {transform_indices = @transform_6, window_bounds = array<i64: 1, 512, 768>}]} {
    %get3A = arith.constant 0 : index
    %get3A_0 = arith.constant 0 : index
    %get3A_1 = arith.constant 0 : index
    %get3A_2 = vector.load %arg1[%get3A, %get3A_0, %get3A_1] : memref<1x512x1xi32, #tpu.memory_space<vmem>>, vector<1x512x1xi32>
    %get3A_3 = vector.shape_cast %get3A_2 : vector<1x512x1xi32> to vector<512x1xi32>
    %ne3A = arith.constant 1 : i32
    %ne3A_4 = vector.broadcast %ne3A : i32 to vector<512x1xi32>
    %ne3A_5 = arith.cmpi ne, %get3A_3, %ne3A_4 : vector<512x1xi32>
    %convert_element_type3A = arith.extui %ne3A_5 : vector<512x1xi1> to vector<512x1xi32>
    %convert_element_type3A_6 = arith.sitofp %convert_element_type3A : vector<512x1xi32> to vector<512x1xf32>
    %get3A_7 = arith.constant 0 : index
    %get3A_8 = arith.constant 0 : index
    %get3A_9 = vector.load %arg3[%get3A_7, %get3A_8] : memref<512x512xf32, #tpu.memory_space<vmem>>, vector<512x512xf32>
    %dot_general3A = arith.constant dense<0.000000e+00> : vector<512x1xf32>
    %dot_general3A_10 = tpu.matmul %get3A_9, %convert_element_type3A_6, %dot_general3A {dimension_numbers = #tpu.dot_dimension_numbers<[1], [0], [0], [1], [0, 0, 1, 1], [], []>, transpose_lhs_hint = false} : vector<512x512xf32>, vector<512x1xf32>, vector<512x1xf32> -> vector<512x1xf32>
    %mul3A = arith.mulf %dot_general3A_10, %convert_element_type3A_6 : vector<512x1xf32>
    %add3A = arith.constant 1.000000e+00 : f32
    %add3A_11 = vector.broadcast %add3A : f32 to vector<512x1xf32>
    %add3A_12 = arith.addf %mul3A, %add3A_11 : vector<512x1xf32>
    %convert_element_type3A_13 = arith.fptosi %add3A_12 : vector<512x1xf32> to vector<512x1xi32>
    %iota3A = tpu.iota {dimensions = array<i32: 1>} : vector<512x528xi32>
    %eq3A = vector.broadcast %convert_element_type3A_13 : vector<512x1xi32> to vector<512x528xi32>
    %eq3A_14 = arith.cmpi eq, %eq3A, %iota3A : vector<512x528xi32>
    %convert_element_type3A_15 = arith.extui %eq3A_14 : vector<512x528xi1> to vector<512x528xi32>
    %convert_element_type3A_16 = arith.sitofp %convert_element_type3A_15 : vector<512x528xi32> to vector<512x528xf32>
    %get3A_17 = arith.constant 0 : index
    %get3A_18 = arith.constant 0 : index
    %get3A_19 = vector.load %arg4[%get3A_17, %get3A_18] : memref<528x768xf32, #tpu.memory_space<vmem>>, vector<528x768xf32>
    %dot_general3A_20 = arith.constant dense<0.000000e+00> : vector<512x768xf32>
    %dot_general3A_21 = tpu.matmul %convert_element_type3A_16, %get3A_19, %dot_general3A_20 {dimension_numbers = #tpu.dot_dimension_numbers<[1], [0], [0], [1], [0, 0, 1, 1], [], []>, transpose_lhs_hint = false} : vector<512x528xf32>, vector<528x768xf32>, vector<512x768xf32> -> vector<512x768xf32>
    %get3A_22 = arith.constant 0 : index
    %get3A_23 = arith.constant 0 : index
    %get3A_24 = arith.constant 0 : index
    %get3A_25 = vector.load %arg2[%get3A_22, %get3A_23, %get3A_24] : memref<1x512x768xf32, #tpu.memory_space<vmem>>, vector<1x512x768xf32>
    %get3A_26 = vector.shape_cast %get3A_25 : vector<1x512x768xf32> to vector<512x768xf32>
    %add3A_27 = arith.addf %get3A_26, %dot_general3A_21 : vector<512x768xf32>
    %reduce_sum3A = arith.constant dense<0.000000e+00> : vector<512xf32>
    %reduce_sum3A_28 = vector.multi_reduction <add>, %add3A_27, %reduce_sum3A [1] : vector<512x768xf32> to vector<512xf32>
    %broadcast_in_dim3A = vector.shape_cast %reduce_sum3A_28 : vector<512xf32> to vector<512x1xf32>
    %mul3A_29 = arith.constant 0.00130208337 : f32
    %mul3A_30 = vector.broadcast %mul3A_29 : f32 to vector<512x1xf32>
    %mul3A_31 = arith.mulf %broadcast_in_dim3A, %mul3A_30 : vector<512x1xf32>
    %mul3A_32 = arith.mulf %add3A_27, %add3A_27 : vector<512x768xf32>
    %reduce_sum3A_33 = arith.constant dense<0.000000e+00> : vector<512xf32>
    %reduce_sum3A_34 = vector.multi_reduction <add>, %mul3A_32, %reduce_sum3A_33 [1] : vector<512x768xf32> to vector<512xf32>
    %broadcast_in_dim3A_35 = vector.shape_cast %reduce_sum3A_34 : vector<512xf32> to vector<512x1xf32>
    %mul3A_36 = arith.constant 0.00130208337 : f32
    %mul3A_37 = vector.broadcast %mul3A_36 : f32 to vector<512x1xf32>
    %mul3A_38 = arith.mulf %broadcast_in_dim3A_35, %mul3A_37 : vector<512x1xf32>
    %mul3A_39 = arith.mulf %mul3A_31, %mul3A_31 : vector<512x1xf32>
    %sub3A = arith.subf %mul3A_38, %mul3A_39 : vector<512x1xf32>
    %add3A_40 = arith.constant 9.99999974E-6 : f32
    %add3A_41 = vector.broadcast %add3A_40 : f32 to vector<512x1xf32>
    %add3A_42 = arith.addf %sub3A, %add3A_41 : vector<512x1xf32>
    %rsqrt3A = math.rsqrt %add3A_42 : vector<512x1xf32>
    %sub3A_43 = vector.broadcast %mul3A_31 : vector<512x1xf32> to vector<512x768xf32>
    %sub3A_44 = arith.subf %add3A_27, %sub3A_43 : vector<512x768xf32>
    %mul3A_45 = vector.broadcast %rsqrt3A : vector<512x1xf32> to vector<512x768xf32>
    %mul3A_46 = arith.mulf %sub3A_44, %mul3A_45 : vector<512x768xf32>
    %get3A_47 = arith.constant 0 : index
    %get3A_48 = arith.constant 0 : index
    %get3A_49 = vector.load %arg5[%get3A_47, %get3A_48] : memref<1x768xf32, #tpu.memory_space<vmem>>, vector<1x768xf32>
    %mul3A_50 = vector.broadcast %get3A_49 : vector<1x768xf32> to vector<512x768xf32>
    %mul3A_51 = arith.mulf %mul3A_46, %mul3A_50 : vector<512x768xf32>
    %get3A_52 = arith.constant 0 : index
    %get3A_53 = arith.constant 0 : index
    %get3A_54 = vector.load %arg6[%get3A_52, %get3A_53] : memref<1x768xf32, #tpu.memory_space<vmem>>, vector<1x768xf32>
    %add3A_55 = vector.broadcast %get3A_54 : vector<1x768xf32> to vector<512x768xf32>
    %add3A_56 = arith.addf %mul3A_51, %add3A_55 : vector<512x768xf32>
    %swap3A = arith.constant 0 : index
    %swap3A_57 = arith.constant 0 : index
    %swap3A_58 = arith.constant 0 : index
    %swap3A_59 = vector.load %arg7[%swap3A, %swap3A_57, %swap3A_58] : memref<1x512x768xf32, #tpu.memory_space<vmem>>, vector<1x512x768xf32>
    %swap3A_60 = vector.shape_cast %swap3A_59 : vector<1x512x768xf32> to vector<512x768xf32>
    %swap3A_61 = vector.shape_cast %add3A_56 : vector<512x768xf32> to vector<1x512x768xf32>
    tpu.vector_store %arg7[%swap3A, %swap3A_57, %swap3A_58], %swap3A_61 {strides = array<i32>} : memref<1x512x768xf32, #tpu.memory_space<vmem>>, vector<1x512x768xf32>,
    return
  }
  func.func @transform_0(%arg0: i32) -> (i32, i32, i32) {
    %c0_i32 = arith.constant 0 : i32
    %c0_i32_0 = arith.constant 0 : i32
    %c0_i32_1 = arith.constant 0 : i32
    return %arg0, %c0_i32, %c0_i32_0 : i32, i32, i32
  }
  func.func @transform_1(%arg0: i32) -> (i32, i32, i32) {
    %c0_i32 = arith.constant 0 : i32
    %c0_i32_0 = arith.constant 0 : i32
    %c0_i32_1 = arith.constant 0 : i32
    return %arg0, %c0_i32, %c0_i32_0 : i32, i32, i32
  }
  func.func @transform_2(%arg0: i32) -> (i32, i32) {
    %c0_i32 = arith.constant 0 : i32
    %c0_i32_0 = arith.constant 0 : i32
    %c0_i32_1 = arith.constant 0 : i32
    return %c0_i32, %c0_i32_0 : i32, i32
  }
  func.func @transform_3(%arg0: i32) -> (i32, i32) {
    %c0_i32 = arith.constant 0 : i32
    %c0_i32_0 = arith.constant 0 : i32
    %c0_i32_1 = arith.constant 0 : i32
    return %c0_i32, %c0_i32_0 : i32, i32
  }
  func.func @transform_4(%arg0: i32) -> (i32, i32) {
    %c0_i32 = arith.constant 0 : i32
    %c0_i32_0 = arith.constant 0 : i32
    %c0_i32_1 = arith.constant 0 : i32
    return %c0_i32, %c0_i32_0 : i32, i32
  }
  func.func @transform_5(%arg0: i32) -> (i32, i32) {
    %c0_i32 = arith.constant 0 : i32
    %c0_i32_0 = arith.constant 0 : i32
    %c0_i32_1 = arith.constant 0 : i32
    return %c0_i32, %c0_i32_0 : i32, i32
  }
  func.func @transform_6(%arg0: i32) -> (i32, i32, i32) {
    %add3A = arith.constant 0 : i32
    %add3A_0 = arith.addi %add3A, %arg0 : i32
    %c0_i32 = arith.constant 0 : i32
    %c0_i32_1 = arith.constant 0 : i32
    %c0_i32_2 = arith.constant 0 : i32
    return %add3A_0, %c0_i32, %c0_i32_1 : i32, i32, i32
  }
}

module attributes {stable_mosaic.version = 14 : i64} {
  func.func @body(%arg0: i32, %arg1: memref<1x512x1xi32, #tpu.memory_space<vmem>>, %arg2: memref<1x512x768xf32, #tpu.memory_space<vmem>>, %arg3: memref<512x512xf32, #tpu.memory_space<vmem>>, %arg4: memref<528x768xf32, #tpu.memory_space<vmem>>, %arg5: memref<1x768xf32, #tpu.memory_space<vmem>>, %arg6: memref<1x768xf32, #tpu.memory_space<vmem>>, %arg7: memref<128x512x768xf32, #tpu.memory_space<any>>, %arg8: memref<1x512x768xf32, #tpu.memory_space<vmem>>) attributes {dimension_semantics = [#tpu.dimension_semantics<arbitrary>], iteration_bounds = array<i64: 32>, scalar_prefetch = 0 : i64, scratch_operands = 0 : i64, tpu.core_type = #tpu.core_type<tc>, window_params = [{transform_indices = @transform_0, window_bounds = array<i64: 1, 512, 1>}, {transform_indices = @transform_1, window_bounds = array<i64: 1, 512, 768>}, {pipeline_mode = #tpu.pipeline_mode<synchronous>, transform_indices = @transform_2, window_bounds = array<i64: 512, 512>}, {pipeline_mode = #tpu.pipeline_mode<synchronous>, transform_indices = @transform_3, window_bounds = array<i64: 528, 768>}, {pipeline_mode = #tpu.pipeline_mode<synchronous>, transform_indices = @transform_4, window_bounds = array<i64: 1, 768>}, {pipeline_mode = #tpu.pipeline_mode<synchronous>, transform_indices = @transform_5, window_bounds = array<i64: 1, 768>}, {}, {transform_indices = @transform_7, window_bounds = array<i64: 1, 512, 768>}]} {
    %get3A = arith.constant 0 : index
    %get3A_0 = arith.constant 0 : index
    %get3A_1 = arith.constant 0 : index
    %get3A_2 = vector.load %arg1[%get3A, %get3A_0, %get3A_1] : memref<1x512x1xi32, #tpu.memory_space<vmem>>, vector<1x512x1xi32>
    %get3A_3 = vector.shape_cast %get3A_2 : vector<1x512x1xi32> to vector<512x1xi32>
    %ne3A = arith.constant 1 : i32
    %ne3A_4 = vector.broadcast %ne3A : i32 to vector<512x1xi32>
    %ne3A_5 = arith.cmpi ne, %get3A_3, %ne3A_4 : vector<512x1xi32>
    %convert_element_type3A = arith.extui %ne3A_5 : vector<512x1xi1> to vector<512x1xi32>
    %convert_element_type3A_6 = arith.sitofp %convert_element_type3A : vector<512x1xi32> to vector<512x1xf32>
    %get3A_7 = arith.constant 0 : index
    %get3A_8 = arith.constant 0 : index
    %get3A_9 = vector.load %arg3[%get3A_7, %get3A_8] : memref<512x512xf32, #tpu.memory_space<vmem>>, vector<512x512xf32>
    %dot_general3A = arith.constant dense<0.000000e+00> : vector<512x1xf32>
    %dot_general3A_10 = tpu.matmul %get3A_9, %convert_element_type3A_6, %dot_general3A {dimension_numbers = #tpu.dot_dimension_numbers<[1], [0], [0], [1], [0, 0, 1, 1], [], []>, transpose_lhs_hint = false} : vector<512x512xf32>, vector<512x1xf32>, vector<512x1xf32> -> vector<512x1xf32>
    %mul3A = arith.mulf %dot_general3A_10, %convert_element_type3A_6 : vector<512x1xf32>
    %add3A = arith.constant 1.000000e+00 : f32
    %add3A_11 = vector.broadcast %add3A : f32 to vector<512x1xf32>
    %add3A_12 = arith.addf %mul3A, %add3A_11 : vector<512x1xf32>
    %convert_element_type3A_13 = arith.fptosi %add3A_12 : vector<512x1xf32> to vector<512x1xi32>
    %iota3A = tpu.iota {dimensions = array<i32: 1>} : vector<512x528xi32>
    %eq3A = vector.broadcast %convert_element_type3A_13 : vector<512x1xi32> to vector<512x528xi32>
    %eq3A_14 = arith.cmpi eq, %eq3A, %iota3A : vector<512x528xi32>
    %convert_element_type3A_15 = arith.extui %eq3A_14 : vector<512x528xi1> to vector<512x528xi32>
    %convert_element_type3A_16 = arith.sitofp %convert_element_type3A_15 : vector<512x528xi32> to vector<512x528xf32>
    %get3A_17 = arith.constant 0 : index
    %get3A_18 = arith.constant 0 : index
    %get3A_19 = vector.load %arg4[%get3A_17, %get3A_18] : memref<528x768xf32, #tpu.memory_space<vmem>>, vector<528x768xf32>
    %dot_general3A_20 = arith.constant dense<0.000000e+00> : vector<512x768xf32>
    %dot_general3A_21 = tpu.matmul %convert_element_type3A_16, %get3A_19, %dot_general3A_20 {dimension_numbers = #tpu.dot_dimension_numbers<[1], [0], [0], [1], [0, 0, 1, 1], [], []>, transpose_lhs_hint = false} : vector<512x528xf32>, vector<528x768xf32>, vector<512x768xf32> -> vector<512x768xf32>
    %get3A_22 = arith.constant 0 : index
    %get3A_23 = arith.constant 0 : index
    %get3A_24 = arith.constant 0 : index
    %get3A_25 = vector.load %arg2[%get3A_22, %get3A_23, %get3A_24] : memref<1x512x768xf32, #tpu.memory_space<vmem>>, vector<1x512x768xf32>
    %get3A_26 = vector.shape_cast %get3A_25 : vector<1x512x768xf32> to vector<512x768xf32>
    %add3A_27 = arith.addf %get3A_26, %dot_general3A_21 : vector<512x768xf32>
    %reduce_sum3A = arith.constant dense<0.000000e+00> : vector<512xf32>
    %reduce_sum3A_28 = vector.multi_reduction <add>, %add3A_27, %reduce_sum3A [1] : vector<512x768xf32> to vector<512xf32>
    %broadcast_in_dim3A = vector.shape_cast %reduce_sum3A_28 : vector<512xf32> to vector<512x1xf32>
    %mul3A_29 = arith.constant 0.00130208337 : f32
    %mul3A_30 = vector.broadcast %mul3A_29 : f32 to vector<512x1xf32>
    %mul3A_31 = arith.mulf %broadcast_in_dim3A, %mul3A_30 : vector<512x1xf32>
    %mul3A_32 = arith.mulf %add3A_27, %add3A_27 : vector<512x768xf32>
    %reduce_sum3A_33 = arith.constant dense<0.000000e+00> : vector<512xf32>
    %reduce_sum3A_34 = vector.multi_reduction <add>, %mul3A_32, %reduce_sum3A_33 [1] : vector<512x768xf32> to vector<512xf32>
    %broadcast_in_dim3A_35 = vector.shape_cast %reduce_sum3A_34 : vector<512xf32> to vector<512x1xf32>
    %mul3A_36 = arith.constant 0.00130208337 : f32
    %mul3A_37 = vector.broadcast %mul3A_36 : f32 to vector<512x1xf32>
    %mul3A_38 = arith.mulf %broadcast_in_dim3A_35, %mul3A_37 : vector<512x1xf32>
    %mul3A_39 = arith.mulf %mul3A_31, %mul3A_31 : vector<512x1xf32>
    %sub3A = arith.subf %mul3A_38, %mul3A_39 : vector<512x1xf32>
    %add3A_40 = arith.constant 9.99999974E-6 : f32
    %add3A_41 = vector.broadcast %add3A_40 : f32 to vector<512x1xf32>
    %add3A_42 = arith.addf %sub3A, %add3A_41 : vector<512x1xf32>
    %rsqrt3A = math.rsqrt %add3A_42 : vector<512x1xf32>
    %sub3A_43 = vector.broadcast %mul3A_31 : vector<512x1xf32> to vector<512x768xf32>
    %sub3A_44 = arith.subf %add3A_27, %sub3A_43 : vector<512x768xf32>
    %mul3A_45 = vector.broadcast %rsqrt3A : vector<512x1xf32> to vector<512x768xf32>
    %mul3A_46 = arith.mulf %sub3A_44, %mul3A_45 : vector<512x768xf32>
    %get3A_47 = arith.constant 0 : index
    %get3A_48 = arith.constant 0 : index
    %get3A_49 = vector.load %arg5[%get3A_47, %get3A_48] : memref<1x768xf32, #tpu.memory_space<vmem>>, vector<1x768xf32>
    %mul3A_50 = vector.broadcast %get3A_49 : vector<1x768xf32> to vector<512x768xf32>
    %mul3A_51 = arith.mulf %mul3A_46, %mul3A_50 : vector<512x768xf32>
    %get3A_52 = arith.constant 0 : index
    %get3A_53 = arith.constant 0 : index
    %get3A_54 = vector.load %arg6[%get3A_52, %get3A_53] : memref<1x768xf32, #tpu.memory_space<vmem>>, vector<1x768xf32>
    %add3A_55 = vector.broadcast %get3A_54 : vector<1x768xf32> to vector<512x768xf32>
    %add3A_56 = arith.addf %mul3A_51, %add3A_55 : vector<512x768xf32>
    %swap3A = arith.constant 0 : index
    %swap3A_57 = arith.constant 0 : index
    %swap3A_58 = arith.constant 0 : index
    %swap3A_59 = vector.load %arg8[%swap3A, %swap3A_57, %swap3A_58] : memref<1x512x768xf32, #tpu.memory_space<vmem>>, vector<1x512x768xf32>
    %swap3A_60 = vector.shape_cast %swap3A_59 : vector<1x512x768xf32> to vector<512x768xf32>
    %swap3A_61 = vector.shape_cast %add3A_56 : vector<512x768xf32> to vector<1x512x768xf32>
    tpu.vector_store %arg8[%swap3A, %swap3A_57, %swap3A_58], %swap3A_61 {strides = array<i32>} : memref<1x512x768xf32, #tpu.memory_space<vmem>>, vector<1x512x768xf32>,
    return
  }
  func.func @transform_0(%arg0: i32) -> (i32, i32, i32) {
    %c0_i32 = arith.constant 0 : i32
    %c0_i32_0 = arith.constant 0 : i32
    %c0_i32_1 = arith.constant 0 : i32
    return %arg0, %c0_i32, %c0_i32_0 : i32, i32, i32
  }
  func.func @transform_1(%arg0: i32) -> (i32, i32, i32) {
    %c0_i32 = arith.constant 0 : i32
    %c0_i32_0 = arith.constant 0 : i32
    %c0_i32_1 = arith.constant 0 : i32
    return %arg0, %c0_i32, %c0_i32_0 : i32, i32, i32
  }
  func.func @transform_2(%arg0: i32) -> (i32, i32) {
    %c0_i32 = arith.constant 0 : i32
    %c0_i32_0 = arith.constant 0 : i32
    %c0_i32_1 = arith.constant 0 : i32
    return %c0_i32, %c0_i32_0 : i32, i32
  }
  func.func @transform_3(%arg0: i32) -> (i32, i32) {
    %c0_i32 = arith.constant 0 : i32
    %c0_i32_0 = arith.constant 0 : i32
    %c0_i32_1 = arith.constant 0 : i32
    return %c0_i32, %c0_i32_0 : i32, i32
  }
  func.func @transform_4(%arg0: i32) -> (i32, i32) {
    %c0_i32 = arith.constant 0 : i32
    %c0_i32_0 = arith.constant 0 : i32
    %c0_i32_1 = arith.constant 0 : i32
    return %c0_i32, %c0_i32_0 : i32, i32
  }
  func.func @transform_5(%arg0: i32) -> (i32, i32) {
    %c0_i32 = arith.constant 0 : i32
    %c0_i32_0 = arith.constant 0 : i32
    %c0_i32_1 = arith.constant 0 : i32
    return %c0_i32, %c0_i32_0 : i32, i32
  }
  func.func @transform_7(%arg0: i32) -> (i32, i32, i32) {
    %add3A = arith.constant 16 : i32
    %add3A_0 = arith.addi %add3A, %arg0 : i32
    %c0_i32 = arith.constant 0 : i32
    %c0_i32_1 = arith.constant 0 : i32
    %c0_i32_2 = arith.constant 0 : i32
    return %add3A_0, %c0_i32, %c0_i32_1 : i32, i32, i32
  }
}

module attributes {stable_mosaic.version = 14 : i64} {
  func.func @body(%arg0: i32, %arg1: memref<1x512x1xi32, #tpu.memory_space<vmem>>, %arg2: memref<1x512x768xf32, #tpu.memory_space<vmem>>, %arg3: memref<512x512xf32, #tpu.memory_space<vmem>>, %arg4: memref<528x768xf32, #tpu.memory_space<vmem>>, %arg5: memref<1x768xf32, #tpu.memory_space<vmem>>, %arg6: memref<1x768xf32, #tpu.memory_space<vmem>>, %arg7: memref<128x512x768xf32, #tpu.memory_space<any>>, %arg8: memref<1x512x768xf32, #tpu.memory_space<vmem>>) attributes {dimension_semantics = [#tpu.dimension_semantics<arbitrary>], iteration_bounds = array<i64: 40>, scalar_prefetch = 0 : i64, scratch_operands = 0 : i64, tpu.core_type = #tpu.core_type<tc>, window_params = [{transform_indices = @transform_0, window_bounds = array<i64: 1, 512, 1>}, {transform_indices = @transform_1, window_bounds = array<i64: 1, 512, 768>}, {pipeline_mode = #tpu.pipeline_mode<synchronous>, transform_indices = @transform_2, window_bounds = array<i64: 512, 512>}, {pipeline_mode = #tpu.pipeline_mode<synchronous>, transform_indices = @transform_3, window_bounds = array<i64: 528, 768>}, {pipeline_mode = #tpu.pipeline_mode<synchronous>, transform_indices = @transform_4, window_bounds = array<i64: 1, 768>}, {pipeline_mode = #tpu.pipeline_mode<synchronous>, transform_indices = @transform_5, window_bounds = array<i64: 1, 768>}, {}, {transform_indices = @transform_7, window_bounds = array<i64: 1, 512, 768>}]} {
    %get3A = arith.constant 0 : index
    %get3A_0 = arith.constant 0 : index
    %get3A_1 = arith.constant 0 : index
    %get3A_2 = vector.load %arg1[%get3A, %get3A_0, %get3A_1] : memref<1x512x1xi32, #tpu.memory_space<vmem>>, vector<1x512x1xi32>
    %get3A_3 = vector.shape_cast %get3A_2 : vector<1x512x1xi32> to vector<512x1xi32>
    %ne3A = arith.constant 1 : i32
    %ne3A_4 = vector.broadcast %ne3A : i32 to vector<512x1xi32>
    %ne3A_5 = arith.cmpi ne, %get3A_3, %ne3A_4 : vector<512x1xi32>
    %convert_element_type3A = arith.extui %ne3A_5 : vector<512x1xi1> to vector<512x1xi32>
    %convert_element_type3A_6 = arith.sitofp %convert_element_type3A : vector<512x1xi32> to vector<512x1xf32>
    %get3A_7 = arith.constant 0 : index
    %get3A_8 = arith.constant 0 : index
    %get3A_9 = vector.load %arg3[%get3A_7, %get3A_8] : memref<512x512xf32, #tpu.memory_space<vmem>>, vector<512x512xf32>
    %dot_general3A = arith.constant dense<0.000000e+00> : vector<512x1xf32>
    %dot_general3A_10 = tpu.matmul %get3A_9, %convert_element_type3A_6, %dot_general3A {dimension_numbers = #tpu.dot_dimension_numbers<[1], [0], [0], [1], [0, 0, 1, 1], [], []>, transpose_lhs_hint = false} : vector<512x512xf32>, vector<512x1xf32>, vector<512x1xf32> -> vector<512x1xf32>
    %mul3A = arith.mulf %dot_general3A_10, %convert_element_type3A_6 : vector<512x1xf32>
    %add3A = arith.constant 1.000000e+00 : f32
    %add3A_11 = vector.broadcast %add3A : f32 to vector<512x1xf32>
    %add3A_12 = arith.addf %mul3A, %add3A_11 : vector<512x1xf32>
    %convert_element_type3A_13 = arith.fptosi %add3A_12 : vector<512x1xf32> to vector<512x1xi32>
    %iota3A = tpu.iota {dimensions = array<i32: 1>} : vector<512x528xi32>
    %eq3A = vector.broadcast %convert_element_type3A_13 : vector<512x1xi32> to vector<512x528xi32>
    %eq3A_14 = arith.cmpi eq, %eq3A, %iota3A : vector<512x528xi32>
    %convert_element_type3A_15 = arith.extui %eq3A_14 : vector<512x528xi1> to vector<512x528xi32>
    %convert_element_type3A_16 = arith.sitofp %convert_element_type3A_15 : vector<512x528xi32> to vector<512x528xf32>
    %get3A_17 = arith.constant 0 : index
    %get3A_18 = arith.constant 0 : index
    %get3A_19 = vector.load %arg4[%get3A_17, %get3A_18] : memref<528x768xf32, #tpu.memory_space<vmem>>, vector<528x768xf32>
    %dot_general3A_20 = arith.constant dense<0.000000e+00> : vector<512x768xf32>
    %dot_general3A_21 = tpu.matmul %convert_element_type3A_16, %get3A_19, %dot_general3A_20 {dimension_numbers = #tpu.dot_dimension_numbers<[1], [0], [0], [1], [0, 0, 1, 1], [], []>, transpose_lhs_hint = false} : vector<512x528xf32>, vector<528x768xf32>, vector<512x768xf32> -> vector<512x768xf32>
    %get3A_22 = arith.constant 0 : index
    %get3A_23 = arith.constant 0 : index
    %get3A_24 = arith.constant 0 : index
    %get3A_25 = vector.load %arg2[%get3A_22, %get3A_23, %get3A_24] : memref<1x512x768xf32, #tpu.memory_space<vmem>>, vector<1x512x768xf32>
    %get3A_26 = vector.shape_cast %get3A_25 : vector<1x512x768xf32> to vector<512x768xf32>
    %add3A_27 = arith.addf %get3A_26, %dot_general3A_21 : vector<512x768xf32>
    %reduce_sum3A = arith.constant dense<0.000000e+00> : vector<512xf32>
    %reduce_sum3A_28 = vector.multi_reduction <add>, %add3A_27, %reduce_sum3A [1] : vector<512x768xf32> to vector<512xf32>
    %broadcast_in_dim3A = vector.shape_cast %reduce_sum3A_28 : vector<512xf32> to vector<512x1xf32>
    %mul3A_29 = arith.constant 0.00130208337 : f32
    %mul3A_30 = vector.broadcast %mul3A_29 : f32 to vector<512x1xf32>
    %mul3A_31 = arith.mulf %broadcast_in_dim3A, %mul3A_30 : vector<512x1xf32>
    %mul3A_32 = arith.mulf %add3A_27, %add3A_27 : vector<512x768xf32>
    %reduce_sum3A_33 = arith.constant dense<0.000000e+00> : vector<512xf32>
    %reduce_sum3A_34 = vector.multi_reduction <add>, %mul3A_32, %reduce_sum3A_33 [1] : vector<512x768xf32> to vector<512xf32>
    %broadcast_in_dim3A_35 = vector.shape_cast %reduce_sum3A_34 : vector<512xf32> to vector<512x1xf32>
    %mul3A_36 = arith.constant 0.00130208337 : f32
    %mul3A_37 = vector.broadcast %mul3A_36 : f32 to vector<512x1xf32>
    %mul3A_38 = arith.mulf %broadcast_in_dim3A_35, %mul3A_37 : vector<512x1xf32>
    %mul3A_39 = arith.mulf %mul3A_31, %mul3A_31 : vector<512x1xf32>
    %sub3A = arith.subf %mul3A_38, %mul3A_39 : vector<512x1xf32>
    %add3A_40 = arith.constant 9.99999974E-6 : f32
    %add3A_41 = vector.broadcast %add3A_40 : f32 to vector<512x1xf32>
    %add3A_42 = arith.addf %sub3A, %add3A_41 : vector<512x1xf32>
    %rsqrt3A = math.rsqrt %add3A_42 : vector<512x1xf32>
    %sub3A_43 = vector.broadcast %mul3A_31 : vector<512x1xf32> to vector<512x768xf32>
    %sub3A_44 = arith.subf %add3A_27, %sub3A_43 : vector<512x768xf32>
    %mul3A_45 = vector.broadcast %rsqrt3A : vector<512x1xf32> to vector<512x768xf32>
    %mul3A_46 = arith.mulf %sub3A_44, %mul3A_45 : vector<512x768xf32>
    %get3A_47 = arith.constant 0 : index
    %get3A_48 = arith.constant 0 : index
    %get3A_49 = vector.load %arg5[%get3A_47, %get3A_48] : memref<1x768xf32, #tpu.memory_space<vmem>>, vector<1x768xf32>
    %mul3A_50 = vector.broadcast %get3A_49 : vector<1x768xf32> to vector<512x768xf32>
    %mul3A_51 = arith.mulf %mul3A_46, %mul3A_50 : vector<512x768xf32>
    %get3A_52 = arith.constant 0 : index
    %get3A_53 = arith.constant 0 : index
    %get3A_54 = vector.load %arg6[%get3A_52, %get3A_53] : memref<1x768xf32, #tpu.memory_space<vmem>>, vector<1x768xf32>
    %add3A_55 = vector.broadcast %get3A_54 : vector<1x768xf32> to vector<512x768xf32>
    %add3A_56 = arith.addf %mul3A_51, %add3A_55 : vector<512x768xf32>
    %swap3A = arith.constant 0 : index
    %swap3A_57 = arith.constant 0 : index
    %swap3A_58 = arith.constant 0 : index
    %swap3A_59 = vector.load %arg8[%swap3A, %swap3A_57, %swap3A_58] : memref<1x512x768xf32, #tpu.memory_space<vmem>>, vector<1x512x768xf32>
    %swap3A_60 = vector.shape_cast %swap3A_59 : vector<1x512x768xf32> to vector<512x768xf32>
    %swap3A_61 = vector.shape_cast %add3A_56 : vector<512x768xf32> to vector<1x512x768xf32>
    tpu.vector_store %arg8[%swap3A, %swap3A_57, %swap3A_58], %swap3A_61 {strides = array<i32>} : memref<1x512x768xf32, #tpu.memory_space<vmem>>, vector<1x512x768xf32>,
    return
  }
  func.func @transform_0(%arg0: i32) -> (i32, i32, i32) {
    %c0_i32 = arith.constant 0 : i32
    %c0_i32_0 = arith.constant 0 : i32
    %c0_i32_1 = arith.constant 0 : i32
    return %arg0, %c0_i32, %c0_i32_0 : i32, i32, i32
  }
  func.func @transform_1(%arg0: i32) -> (i32, i32, i32) {
    %c0_i32 = arith.constant 0 : i32
    %c0_i32_0 = arith.constant 0 : i32
    %c0_i32_1 = arith.constant 0 : i32
    return %arg0, %c0_i32, %c0_i32_0 : i32, i32, i32
  }
  func.func @transform_2(%arg0: i32) -> (i32, i32) {
    %c0_i32 = arith.constant 0 : i32
    %c0_i32_0 = arith.constant 0 : i32
    %c0_i32_1 = arith.constant 0 : i32
    return %c0_i32, %c0_i32_0 : i32, i32
  }
  func.func @transform_3(%arg0: i32) -> (i32, i32) {
    %c0_i32 = arith.constant 0 : i32
    %c0_i32_0 = arith.constant 0 : i32
    %c0_i32_1 = arith.constant 0 : i32
    return %c0_i32, %c0_i32_0 : i32, i32
  }
  func.func @transform_4(%arg0: i32) -> (i32, i32) {
    %c0_i32 = arith.constant 0 : i32
    %c0_i32_0 = arith.constant 0 : i32
    %c0_i32_1 = arith.constant 0 : i32
    return %c0_i32, %c0_i32_0 : i32, i32
  }
  func.func @transform_5(%arg0: i32) -> (i32, i32) {
    %c0_i32 = arith.constant 0 : i32
    %c0_i32_0 = arith.constant 0 : i32
    %c0_i32_1 = arith.constant 0 : i32
    return %c0_i32, %c0_i32_0 : i32, i32
  }
  func.func @transform_7(%arg0: i32) -> (i32, i32, i32) {
    %add3A = arith.constant 48 : i32
    %add3A_0 = arith.addi %add3A, %arg0 : i32
    %c0_i32 = arith.constant 0 : i32
    %c0_i32_1 = arith.constant 0 : i32
    %c0_i32_2 = arith.constant 0 : i32
    return %add3A_0, %c0_i32, %c0_i32_1 : i32, i32, i32
  }
}

module attributes {stable_mosaic.version = 14 : i64} {
  func.func @body(%arg0: i32, %arg1: memref<1x512x1xi32, #tpu.memory_space<vmem>>, %arg2: memref<1x512x768xf32, #tpu.memory_space<vmem>>, %arg3: memref<512x512xf32, #tpu.memory_space<vmem>>, %arg4: memref<528x768xf32, #tpu.memory_space<vmem>>, %arg5: memref<1x768xf32, #tpu.memory_space<vmem>>, %arg6: memref<1x768xf32, #tpu.memory_space<vmem>>, %arg7: memref<128x512x768xf32, #tpu.memory_space<any>>, %arg8: memref<1x512x768xf32, #tpu.memory_space<vmem>>) attributes {dimension_semantics = [#tpu.dimension_semantics<arbitrary>], iteration_bounds = array<i64: 40>, scalar_prefetch = 0 : i64, scratch_operands = 0 : i64, tpu.core_type = #tpu.core_type<tc>, window_params = [{transform_indices = @transform_0, window_bounds = array<i64: 1, 512, 1>}, {transform_indices = @transform_1, window_bounds = array<i64: 1, 512, 768>}, {pipeline_mode = #tpu.pipeline_mode<synchronous>, transform_indices = @transform_2, window_bounds = array<i64: 512, 512>}, {pipeline_mode = #tpu.pipeline_mode<synchronous>, transform_indices = @transform_3, window_bounds = array<i64: 528, 768>}, {pipeline_mode = #tpu.pipeline_mode<synchronous>, transform_indices = @transform_4, window_bounds = array<i64: 1, 768>}, {pipeline_mode = #tpu.pipeline_mode<synchronous>, transform_indices = @transform_5, window_bounds = array<i64: 1, 768>}, {}, {transform_indices = @transform_7, window_bounds = array<i64: 1, 512, 768>}]} {
    %get3A = arith.constant 0 : index
    %get3A_0 = arith.constant 0 : index
    %get3A_1 = arith.constant 0 : index
    %get3A_2 = vector.load %arg1[%get3A, %get3A_0, %get3A_1] : memref<1x512x1xi32, #tpu.memory_space<vmem>>, vector<1x512x1xi32>
    %get3A_3 = vector.shape_cast %get3A_2 : vector<1x512x1xi32> to vector<512x1xi32>
    %ne3A = arith.constant 1 : i32
    %ne3A_4 = vector.broadcast %ne3A : i32 to vector<512x1xi32>
    %ne3A_5 = arith.cmpi ne, %get3A_3, %ne3A_4 : vector<512x1xi32>
    %convert_element_type3A = arith.extui %ne3A_5 : vector<512x1xi1> to vector<512x1xi32>
    %convert_element_type3A_6 = arith.sitofp %convert_element_type3A : vector<512x1xi32> to vector<512x1xf32>
    %get3A_7 = arith.constant 0 : index
    %get3A_8 = arith.constant 0 : index
    %get3A_9 = vector.load %arg3[%get3A_7, %get3A_8] : memref<512x512xf32, #tpu.memory_space<vmem>>, vector<512x512xf32>
    %dot_general3A = arith.constant dense<0.000000e+00> : vector<512x1xf32>
    %dot_general3A_10 = tpu.matmul %get3A_9, %convert_element_type3A_6, %dot_general3A {dimension_numbers = #tpu.dot_dimension_numbers<[1], [0], [0], [1], [0, 0, 1, 1], [], []>, transpose_lhs_hint = false} : vector<512x512xf32>, vector<512x1xf32>, vector<512x1xf32> -> vector<512x1xf32>
    %mul3A = arith.mulf %dot_general3A_10, %convert_element_type3A_6 : vector<512x1xf32>
    %add3A = arith.constant 1.000000e+00 : f32
    %add3A_11 = vector.broadcast %add3A : f32 to vector<512x1xf32>
    %add3A_12 = arith.addf %mul3A, %add3A_11 : vector<512x1xf32>
    %convert_element_type3A_13 = arith.fptosi %add3A_12 : vector<512x1xf32> to vector<512x1xi32>
    %iota3A = tpu.iota {dimensions = array<i32: 1>} : vector<512x528xi32>
    %eq3A = vector.broadcast %convert_element_type3A_13 : vector<512x1xi32> to vector<512x528xi32>
    %eq3A_14 = arith.cmpi eq, %eq3A, %iota3A : vector<512x528xi32>
    %convert_element_type3A_15 = arith.extui %eq3A_14 : vector<512x528xi1> to vector<512x528xi32>
    %convert_element_type3A_16 = arith.sitofp %convert_element_type3A_15 : vector<512x528xi32> to vector<512x528xf32>
    %get3A_17 = arith.constant 0 : index
    %get3A_18 = arith.constant 0 : index
    %get3A_19 = vector.load %arg4[%get3A_17, %get3A_18] : memref<528x768xf32, #tpu.memory_space<vmem>>, vector<528x768xf32>
    %dot_general3A_20 = arith.constant dense<0.000000e+00> : vector<512x768xf32>
    %dot_general3A_21 = tpu.matmul %convert_element_type3A_16, %get3A_19, %dot_general3A_20 {dimension_numbers = #tpu.dot_dimension_numbers<[1], [0], [0], [1], [0, 0, 1, 1], [], []>, transpose_lhs_hint = false} : vector<512x528xf32>, vector<528x768xf32>, vector<512x768xf32> -> vector<512x768xf32>
    %get3A_22 = arith.constant 0 : index
    %get3A_23 = arith.constant 0 : index
    %get3A_24 = arith.constant 0 : index
    %get3A_25 = vector.load %arg2[%get3A_22, %get3A_23, %get3A_24] : memref<1x512x768xf32, #tpu.memory_space<vmem>>, vector<1x512x768xf32>
    %get3A_26 = vector.shape_cast %get3A_25 : vector<1x512x768xf32> to vector<512x768xf32>
    %add3A_27 = arith.addf %get3A_26, %dot_general3A_21 : vector<512x768xf32>
    %reduce_sum3A = arith.constant dense<0.000000e+00> : vector<512xf32>
    %reduce_sum3A_28 = vector.multi_reduction <add>, %add3A_27, %reduce_sum3A [1] : vector<512x768xf32> to vector<512xf32>
    %broadcast_in_dim3A = vector.shape_cast %reduce_sum3A_28 : vector<512xf32> to vector<512x1xf32>
    %mul3A_29 = arith.constant 0.00130208337 : f32
    %mul3A_30 = vector.broadcast %mul3A_29 : f32 to vector<512x1xf32>
    %mul3A_31 = arith.mulf %broadcast_in_dim3A, %mul3A_30 : vector<512x1xf32>
    %mul3A_32 = arith.mulf %add3A_27, %add3A_27 : vector<512x768xf32>
    %reduce_sum3A_33 = arith.constant dense<0.000000e+00> : vector<512xf32>
    %reduce_sum3A_34 = vector.multi_reduction <add>, %mul3A_32, %reduce_sum3A_33 [1] : vector<512x768xf32> to vector<512xf32>
    %broadcast_in_dim3A_35 = vector.shape_cast %reduce_sum3A_34 : vector<512xf32> to vector<512x1xf32>
    %mul3A_36 = arith.constant 0.00130208337 : f32
    %mul3A_37 = vector.broadcast %mul3A_36 : f32 to vector<512x1xf32>
    %mul3A_38 = arith.mulf %broadcast_in_dim3A_35, %mul3A_37 : vector<512x1xf32>
    %mul3A_39 = arith.mulf %mul3A_31, %mul3A_31 : vector<512x1xf32>
    %sub3A = arith.subf %mul3A_38, %mul3A_39 : vector<512x1xf32>
    %add3A_40 = arith.constant 9.99999974E-6 : f32
    %add3A_41 = vector.broadcast %add3A_40 : f32 to vector<512x1xf32>
    %add3A_42 = arith.addf %sub3A, %add3A_41 : vector<512x1xf32>
    %rsqrt3A = math.rsqrt %add3A_42 : vector<512x1xf32>
    %sub3A_43 = vector.broadcast %mul3A_31 : vector<512x1xf32> to vector<512x768xf32>
    %sub3A_44 = arith.subf %add3A_27, %sub3A_43 : vector<512x768xf32>
    %mul3A_45 = vector.broadcast %rsqrt3A : vector<512x1xf32> to vector<512x768xf32>
    %mul3A_46 = arith.mulf %sub3A_44, %mul3A_45 : vector<512x768xf32>
    %get3A_47 = arith.constant 0 : index
    %get3A_48 = arith.constant 0 : index
    %get3A_49 = vector.load %arg5[%get3A_47, %get3A_48] : memref<1x768xf32, #tpu.memory_space<vmem>>, vector<1x768xf32>
    %mul3A_50 = vector.broadcast %get3A_49 : vector<1x768xf32> to vector<512x768xf32>
    %mul3A_51 = arith.mulf %mul3A_46, %mul3A_50 : vector<512x768xf32>
    %get3A_52 = arith.constant 0 : index
    %get3A_53 = arith.constant 0 : index
    %get3A_54 = vector.load %arg6[%get3A_52, %get3A_53] : memref<1x768xf32, #tpu.memory_space<vmem>>, vector<1x768xf32>
    %add3A_55 = vector.broadcast %get3A_54 : vector<1x768xf32> to vector<512x768xf32>
    %add3A_56 = arith.addf %mul3A_51, %add3A_55 : vector<512x768xf32>
    %swap3A = arith.constant 0 : index
    %swap3A_57 = arith.constant 0 : index
    %swap3A_58 = arith.constant 0 : index
    %swap3A_59 = vector.load %arg8[%swap3A, %swap3A_57, %swap3A_58] : memref<1x512x768xf32, #tpu.memory_space<vmem>>, vector<1x512x768xf32>
    %swap3A_60 = vector.shape_cast %swap3A_59 : vector<1x512x768xf32> to vector<512x768xf32>
    %swap3A_61 = vector.shape_cast %add3A_56 : vector<512x768xf32> to vector<1x512x768xf32>
    tpu.vector_store %arg8[%swap3A, %swap3A_57, %swap3A_58], %swap3A_61 {strides = array<i32>} : memref<1x512x768xf32, #tpu.memory_space<vmem>>, vector<1x512x768xf32>,
    return
  }
  func.func @transform_0(%arg0: i32) -> (i32, i32, i32) {
    %c0_i32 = arith.constant 0 : i32
    %c0_i32_0 = arith.constant 0 : i32
    %c0_i32_1 = arith.constant 0 : i32
    return %arg0, %c0_i32, %c0_i32_0 : i32, i32, i32
  }
  func.func @transform_1(%arg0: i32) -> (i32, i32, i32) {
    %c0_i32 = arith.constant 0 : i32
    %c0_i32_0 = arith.constant 0 : i32
    %c0_i32_1 = arith.constant 0 : i32
    return %arg0, %c0_i32, %c0_i32_0 : i32, i32, i32
  }
  func.func @transform_2(%arg0: i32) -> (i32, i32) {
    %c0_i32 = arith.constant 0 : i32
    %c0_i32_0 = arith.constant 0 : i32
    %c0_i32_1 = arith.constant 0 : i32
    return %c0_i32, %c0_i32_0 : i32, i32
  }
  func.func @transform_3(%arg0: i32) -> (i32, i32) {
    %c0_i32 = arith.constant 0 : i32
    %c0_i32_0 = arith.constant 0 : i32
    %c0_i32_1 = arith.constant 0 : i32
    return %c0_i32, %c0_i32_0 : i32, i32
  }
  func.func @transform_4(%arg0: i32) -> (i32, i32) {
    %c0_i32 = arith.constant 0 : i32
    %c0_i32_0 = arith.constant 0 : i32
    %c0_i32_1 = arith.constant 0 : i32
    return %c0_i32, %c0_i32_0 : i32, i32
  }
  func.func @transform_5(%arg0: i32) -> (i32, i32) {
    %c0_i32 = arith.constant 0 : i32
    %c0_i32_0 = arith.constant 0 : i32
    %c0_i32_1 = arith.constant 0 : i32
    return %c0_i32, %c0_i32_0 : i32, i32
  }
  func.func @transform_7(%arg0: i32) -> (i32, i32, i32) {
    %add3A = arith.constant 88 : i32
    %add3A_0 = arith.addi %add3A, %arg0 : i32
    %c0_i32 = arith.constant 0 : i32
    %c0_i32_1 = arith.constant 0 : i32
    %c0_i32_2 = arith.constant 0 : i32
    return %add3A_0, %c0_i32, %c0_i32_1 : i32, i32, i32
  }
}

</mosaic_0001>

<sc_bundles>
// kernel: kernel.10.cloned.1.call-start
scs
__scs_entry_jumppad:
0x0: {  	(pc) =	sbr.rel $0x88, $3  }
0x1: {  	(tag) =	ssettag $0x0;
	lr =	simm.s32 $0x1  }
0x2: {  	[smem:$0x3F9B] =	sst lr;
	_ =	strace $0xD0000000  }
0x3: {  	_ = 	snop  }
0x4: {  	_ = 	snop  }
0x5: {  	_ = 	snop  }
0x6: {  	_ = 	snop  }
0x7: {  	_ = 	snop  }
__scs_overlays_trampoline_lowered:
0x8: {  	[smem:$0x3FAA] =	sst s0  }
0x9: {  	[smem:$0x3FAB] =	sst s1  }
0xa: {  	[smem:$0x3FAC] =	sst s2  }
0xb: {  	[smem:$0x3FAD] =	sst s3  }
0xc: {  	[smem:$0x3FAE] =	sst s4  }
0xd: {  	[smem:$0x3FAF] =	sst s5  }
0xe: {  	[smem:$0x3FB0] =	sst s6  }
0xf: {  	[smem:$0x3FB1] =	sst s7  }
0x10: {  	[smem:$0x3FB2] =	sst s8  }
0x11: {  	[smem:$0x3FB3] =	sst s9;
	s0 =	simm.s32 @!p0 $0x0  }
0x12: {  	s1 =	sld [smem:$0x3F99];
	s0 =	simm.s32 @p0 $0x1  }
0x13: {  	[smem:$0x3FB4] =	sst s0;
	s0 =	simm.s32 @!p1 $0x0  }
0x14: {  	s2 =	sld [smem:$0x3F98];
	s0 =	simm.s32 @p1 $0x1  }
0x15: {  	[smem:$0x3FB5] =	sst s0;
	s0 =	simm.s32 @!p2 $0x0  }
0x16: {  	s3 =	sld [smem:$0x3FDB];
	s0 =	simm.s32 @p2 $0x1  }
0x17: {  	s4 =	simm.s32 $0x1BF5;
	[smem:$0x3FB7] =	sst s0  }
0x18: {  	s0 =	sld [smem:$0x3F9A];
	_ =	swait.ge [sflag:s4], $0x0  }
0x19: {  	s7 =	sld [smem:$0x3F9B]  }
0x1a: {  	s8 =	sadd.s32 $0xFFFFE003, lr  }
0x1b: {  	s9 =	sadd.s32 $0xFFFFFEF7, lr;
	s5 =	simm.s32 $0xFFFFFFFF;
	p2 =	slt.u32 s8, $0xFFFFF086  }
0x1c: {  	p1 =	slt.u32 s9, $0xF7A;
	s5 =	simm.s32 @!p2 $0x0  }
0x1d: {  	s5 =	simm.s32 @p1 $0x1;
	p0 =	seq.s32 s7, s2  }
0x1e: {  	s7 =	smul.u32 @!p0 $0xF7A, s2;
	p2 =	seq.s32 @!p0 s5, $0x0  }
0x1f: {  	s9 =	smul.u32 $0xF7A, s1;
	s8 =	simm.s32 @!p0 $0x1BF5;
	p2 =	por !p2, p0  }
0x20: {  	[sflag:s8] =	ssyncset.s32 @!p0 $0xFFFFF086;
	s6 =	sadd.s32 @!p0 s3, s7;
	s7 =	simm.s32 @!p0 $0x108  }
0x21: {  	s3 =	sadd.s32 s3, s9;
	s6 =	sadd.s32 @!p0 $0x88, s6;
	s7 =	simm.s32 @p2 $0x1082  }
0x22: {  	[simem:s7], [sflag:s8] =	dma.local @!p0 [hbm:s6], $0xF7A  }
0x23: {  	s9 =	sor.u32 $0xD0000000, s2;
	s6 =	simm.s32 $0x108;
	_ =	swait.ge @!p0 [sflag:s8], $0x0  }
0x24: {  	s3 =	sadd.s32 $0x88, s3;
	s6 =	simm.s32 @!p1 $0x1082;
	[sflag:s4] =	ssyncset.s32 $0xFFFFF086  }
0x25: {  	[simem:s6], [sflag:s4] =	dma.local [hbm:s3], $0xF7A  }
0x26: {  	[smem:$0x3F9B] =	sst s1;
	(tag) =	ssettag s2;
	_ =	strace s9  }
0x27: {  	s1 =	sld [smem:$0x3FAB]  }
0x28: {  	s2 =	sld [smem:$0x3FAC]  }
0x29: {  	s4 =	sld [smem:$0x3FAE]  }
0x2a: {  	p0 =	seq.s32 s5, $0x0;
	s5 =	sld [smem:$0x3FAF]  }
0x2b: {  	s6 =	sld [smem:$0x3FB0]  }
0x2c: {  	s7 =	sld [smem:$0x3FB1]  }
0x2d: {  	s3 =	simm.s32 $0x108;
	s8 =	sld [smem:$0x3FB2]  }
0x2e: {  	s3 =	simm.s32 @!p0 $0x1082;
	s9 =	sld [smem:$0x3FB3]  }
0x2f: {  	lr =	sadd.s32 s0, s3;
	s0 =	sld [smem:$0x3FAA]  }
0x30: {  	s3 =	sld [smem:$0x3FAD]  }
0x31: {  	[smem:$0x3FB6] =	sst s10  }
0x32: {  	s10 =	sld [smem:$0x3FB4];
	_ =	sdelay $0x3  }
0x33: {  	p0 =	seq.s32 s10, $0x1;
	s10 =	sld [smem:$0x3FB6];
	_ =	sdelay $0x3  }
0x34: {  	[smem:$0x3FB6] =	sst s10  }
0x35: {  	s10 =	sld [smem:$0x3FB5];
	_ =	sdelay $0x3  }
0x36: {  	p1 =	seq.s32 s10, $0x1;
	s10 =	sld [smem:$0x3FB6];
	_ =	sdelay $0x3  }
0x37: {  	[smem:$0x3FB6] =	sst s10  }
0x38: {  	s10 =	sld [smem:$0x3FB7]  }
0x39: {  	_ = 	snop;
	(pc) =	sbr.ind lr, $3  }
0x3a: {  	_ = 	snop  }
0x3b: {  	_ = 	snop  }
0x3c: {  	p2 =	seq.s32 s10, $0x1;
	s10 =	sld [smem:$0x3FB6]  }
0x3d: {  	_ =	shalt  }
0x3e: {  	_ =	shalt  }
0x3f: {  	_ =	shalt  }
0x40: {  	_ =	shalt  }
0x41: {  	_ =	shalt  }
0x42: {  	_ =	shalt  }
0x43: {  	_ =	shalt  }
0x44: {  	_ =	shalt  }
0x45: {  	_ =	shalt  }
0x46: {  	_ =	shalt  }
0x47: {  	_ =	shalt  }
0x48: {  	_ =	shalt  }
0x49: {  	_ =	shalt  }
0x4a: {  	_ =	shalt  }
0x4b: {  	_ =	shalt  }
0x4c: {  	_ =	shalt  }
0x4d: {  	_ =	shalt  }
0x4e: {  	_ =	shalt  }
0x4f: {  	_ =	shalt  }
0x50: {  	_ =	shalt  }
0x51: {  	_ =	shalt  }
0x52: {  	_ =	shalt  }
0x53: {  	_ =	shalt  }
0x54: {  	_ =	shalt  }
0x55: {  	_ =	shalt  }
0x56: {  	_ =	shalt  }
0x57: {  	_ =	shalt  }
0x58: {  	_ =	shalt  }
0x59: {  	_ =	shalt  }
0x5a: {  	_ =	shalt  }
0x5b: {  	_ =	shalt  }
0x5c: {  	_ =	shalt  }
0x5d: {  	_ =	shalt  }
0x5e: {  	_ =	shalt  }
0x5f: {  	_ =	shalt  }
0x60: {  	_ =	shalt  }
0x61: {  	_ =	shalt  }
0x62: {  	_ =	shalt  }
0x63: {  	_ =	shalt  }
0x64: {  	_ =	shalt  }
0x65: {  	_ =	shalt  }
0x66: {  	_ =	shalt  }
0x67: {  	_ =	shalt  }
0x68: {  	_ =	shalt  }
0x69: {  	_ =	shalt  }
0x6a: {  	_ =	shalt  }
0x6b: {  	_ =	shalt  }
0x6c: {  	_ =	shalt  }
0x6d: {  	_ =	shalt  }
0x6e: {  	_ =	shalt  }
0x6f: {  	_ =	shalt  }
0x70: {  	_ =	shalt  }
0x71: {  	_ =	shalt  }
0x72: {  	_ =	shalt  }
0x73: {  	_ =	shalt  }
0x74: {  	_ =	shalt  }
0x75: {  	_ =	shalt  }
0x76: {  	_ =	shalt  }
0x77: {  	_ =	shalt  }
0x78: {  	_ =	shalt  }
0x79: {  	_ =	shalt  }
0x7a: {  	_ =	shalt  }
0x7b: {  	_ =	shalt  }
0x7c: {  	_ =	shalt  }
0x7d: {  	_ =	shalt  }
0x7e: {  	_ =	shalt  }
0x7f: {  	_ =	shalt  }
0x80: {  	_ =	shalt  }
0x81: {  	_ =	shalt  }
0x82: {  	_ =	shalt  }
0x83: {  	_ =	shalt  }
0x84: {  	_ =	shalt  }
0x85: {  	_ =	shalt  }
0x86: {  	_ =	shalt  }
0x87: {  	_ =	shalt  }
.Lfunc_end0:
.L_simem_size_0:
called_computation_lowered:
.L_overlay_start_0:
0x88: {  	s2 =	sld [smem:$0x3FD9]  }
0x89: {  	s3 =	sld [smem:$0x3FFE];
	_ =	sdelay $0x1  }
0x8a: {  	s1 =	srdreg.scid  }
0x8b: {  	s0 =	sand.u32 $0x1, s1  }
0x8c: {  	s17 =	sshll.u32 s0, $0xA;
	s2 =	sadd.s32 s3, s2  }
0x8d: {  	s2 =	sadd.s32 s2, s17  }
0x8e: {  	[smem:$0x3FC2] =	sst s2  }
0x8f: {  	_ = 	snop  }
0x90: {  	s2 =	sld [smem:$0x3FC8];
	(tm) =	ssettm $0x1  }
0x91: {  	s18 =	sld [smem:$0x3FFB];
	_ =	sdelay $0x3  }
0x92: {  	_ =	strace s18  }
0x93: {  	s3 =	sld [smem:$0x3FFC];
	_ =	sdelay $0x3  }
0x94: {  	_ =	strace s3  }
0x95: {  	s3 =	sld [smem:$0x3FFD];
	_ =	sdelay $0x3  }
0x96: {  	_ =	strace s3  }
0x97: {  	_ =	strace $0x8FFFFFFF  }
0x98: {  	s19 =	sld [smem:$0x3FDB];
	_ =	sdelay $0x1  }
0x99: {  	s4 =	simm.s32 $_scs_section_size  }
0x9a: {  	s5 =	simm.s32 $_size__tile_overlayer_lowered;
	s6 =	simm.s32 $_tile_overlayer_lowered  }
0x9b: {  	s22 =	simm.s32 $0x1BFF;
	s21 =	sshll.u32 s6, $0x1;
	s3 =	sadd.s32 s4, s19  }
0x9c: {  	s7 =	simm.s32 $0x0;
	s20 =	sshll.u32 s5, $0x1;
	s5 =	sadd.s32 s21, s3  }
0x9d: {  	[timem:s7], [sflag:s22] =	dma.local [hbm:s5], s20  }
0x9e: {  	_ =	swait.ge [sflag:s22], s20  }
0x9f: {  	s4 =	ssub.s32 $0x0, s20;
	[sflag:s22] =	ssyncset.done $0x0  }
0xa0: {  	[sflag:s22] =	ssyncadd.s32 s4;
	_ =	sdelay $0x1  }
0xa1: {  	s23 =	simm.s32 $0x1B8B  }
0xa2: {  	_ =	swait.ge [sflag:s23], $0x1  }
0xa3: {  	[sflag:s23] =	ssyncset.done $0x0  }
0xa4: {  	s25 =	simm.s32 $0x1B8E;
	s24 =	sld [smem:$0x3FFE];
	[sflag:s23] =	ssyncadd.s32 $0xFFFFFFFF  }
0xa5: {  	s26 =	simm.s32 $execute0_lowered;
	[smem:$0x3FD2] =	sst s25  }
0xa6: {  	s5 =	sshll.u32 s26, $0x1;
	_ =	strace $0x80000046;
	[dreg:$0x1] =	wrdreg $0xFFFFFFFF  }
0xa7: {  	s28 =	simm.s32 $_size_execute0_lowered;
	s3 =	sadd.s32 s3, s5;
	[dreg:$0x0] =	wrdreg $0x0  }
0xa8: {  	s5 =	sshll.u32 s28, $0x1;
	[dreg:$0x2] =	wrdreg s3  }
0xa9: {  	[dreg:$0x3] =	wrdreg s5  }
0xaa: {  	[dreg:$0x4] =	wrdreg $0xC0  }
0xab: {  	_ =	task [dreg:s7], $0x5FFFF  }
0xac: {  	[dreg:$0x1] =	wrdreg $0xFFFFFFFF  }
0xad: {  	[dreg:$0x0] =	wrdreg $0x60  }
0xae: {  	[dreg:$0x2] =	wrdreg s24  }
0xaf: {  	[dreg:$0x3] =	wrdreg s2  }
0xb0: {  	[dreg:$0x4] =	wrdreg $0x9  }
0xb1: {  	_ =	task.clear_ibuf [dreg:s7], $0x5FFFF;
	_ =	strace $0x90000046  }
0xb2: {  	s29 =	simm.s32 $0x9;
	_ =	strace $0x80000048  }
0xb3: {  	_ =	swait.ge [sflag:s29], $0x1  }
0xb4: {  	[sflag:s29] =	ssyncadd.s32 $0xFFFFFFFF  }
0xb5: {  	_ =	strace $0x90000048  }
0xb6: {  	_ =	sfence  }
0xb7: {  	s30 =	sld [smem:$0x0];
	_ =	sdelay $0x2  }
0xb8: {  	s31 =	sshll.u32 s1, $0xD;
	s1 =	sshrl.u32 s1, $0x2  }
0xb9: {  	s3 =	sand.u32 $0x4000, s31;
	s1 =	sadd.s32 s1, s30  }
0xba: {  	s0 =	sor.u32 s3, s0;
	s1 =	sshll.u32 s1, $0x11  }
0xbb: {  	s0 =	sor.u32 s1, s0  }
0xbc: {  	s0 =	sadd.s32 $0x8F2B, s0  }
0xbd: {  	[sflag:s0] =	ssyncadd.remote.s32 $0x1  }
0xbe: {  	_ =	sfence.sel $0xFFFF  }
0xbf: {  	[dreg:$0x0] =	wrdreg $0xFFFFFFFF;
	(pc) =	sbr.abs _section_cstart, $3  }
0xc0: {  	[dreg:$0x1] =	wrdreg $0xFFFFFFFF  }
0xc1: {  	_ =	task.clear_ibuf [dreg:s7], $0x2FFFF;
	_ =	strace $0x9FFFFFFF  }
0xc2: {  	(tm) =	ssettm $0x7FFFFFFF  }
0xc3: {  	_ =	shalt  }
tec
execute0_lowered:
.L_overlay_start_1:
0x0: {  	(tag) =	ssettag $0x1  }
0x1: {  	s0 =	rddreg [dreg:$0x0]  }
0x2: {  	s2 =	rddreg [dreg:$0x1];
	s1 =	srdreg.scid  }
0x3: {  	s4 =	stileid.u32;
	s3 =	simm.s32 $0x0;
	s10 =	simm.s32 $0x2  }
0x4: {  	s11 =	simm.s32 $0x100;
	s21 =	simm.s32 $0xE100;
	s22 =	simm.s32 $0xE900  }
0x5: {  	s23 =	simm.s32 $0xF100;
	s24 =	simm.s32 $0xF900;
	s28 =	simm.s32 $0x11100  }
0x6: {  	s29 =	simm.s32 $0x11900;
	s30 =	simm.s32 $0x12100;
	s31 =	simm.s32 $0x12900  }
0x7: {  	s9 =	simm.s32 $0x14900;
	s12 =	simm.s32 $0x15100;
	s15 =	simm.s32 $0x15900  }
0x8: {  	s16 =	simm.s32 $0x16100;
	s17 =	simm.s32 $0x16900;
	s18 =	simm.s32 $0x17100  }
0x9: {  	s19 =	simm.s32 $0x17900;
	s1 =	sand.u32 $0x1, s1;
	s4 =	sshll.u32 s4, $0x9  }
0xa: {  	[smem:$0x7FF] =	sst s3;
	s5 =	sshll.u32 s1, $0x8;
	s1 =	ssub.s32 $0x2, s1  }
0xb: {  	s8 =	sadd.s32 $0x200, s2;
	s4 =	sor.u32 s5, s4;
	s6 =	sshrl.u32 s1, $0x1  }
0xc: {  	_ =	strace $0x80000047;
	s5 =	sshrl.u32 s4, $0x3;
	s25 =	ssub.s32 s1, s6  }
0xd: {  	s1 =	simm.s32 $0x13900;
	s6 =	simm.s32 $0x14100;
	s7 =	sadd.s32 s5, s0  }
0xe: {  	v2 =	vlaneseq.u32;
	s5 =	sadd.s32 $0x2E00, s0;
	s0 =	smax.u32 s25, $0x1;
	s25 =	simm.s32 $0x10100  }
0xf: {  	vm0 =	vmmov $0xffff;
	v1 =	vshrl.u32 v2, $0x3;
	s26 =	sadd.s32 $0x2A00, s7;
	s7 =	sadd.s32 $0x100, s2;
	[dreg:$0x4] =	wrdreg s0  }
0x10: {  	v0 =	vand.u32 $0x7, v2;
	v2 =	vor.u32 $0x8, v2;
	v1 =	vmul.u32 $0x8, v1;
	s0 =	simm.s32 $0x0;
	[dreg:$0x3] =	wrdreg s26;
	s26 =	simm.s32 $0x10900  }
.LBB2_1:
0x11: {  	[dreg:$0x5] =	wrdreg s0  }
0x12: {  	s13 =	rddreg [dreg:$0x3]  }
0x13: {  	[tilespmem:s3], [sflag:$0x2] =	stream.linear.gather [hbm4b:s13+s3], $0x100, $0x38;
	[tilespmem:$0x18100] =	vst v63  }
0x14: {  	_ =	swait.ge [sflag:s10], $0x100  }
0x15: {  	p0 =	por $0x1, $0x1;
	[sflag:s10] =	ssyncset.done $0x0  }
0x16: {  	s0 =	simm.s32 $0x13100;
	s13 =	simm.s32 $0x0;
	[sflag:s10] =	ssyncadd.s32 $0xFFFFFF00  }
.LBB2_2:
0x17: {  	s13 =	sshll.u32 s13, $0x7  }
0x18: {  	s14 =	sand.u32 $0x3FFFFF80, s13  }
0x19: {  	v3 =	vld [tilespmem:s14+$0x0];
	_ =	sdelay $0x4  }
0x1a: {  	v4 =	vshrl.u32 v3, $0x3  }
0x1b: {  	v4 =	vmul.u32 $0x30, v4  }
0x1c: {  	v3 =	vand.u32 $0x7, v3  }
0x1d: {  	v3 =	vor.u32 v3, v4  }
0x1e: {  	v4 =	vperm.xlane v3, v0;
	_ =	sdelay $0x1  }
0x1f: {  	v4 =	vadd.s32 v1, v4;
	_ =	sdelay $0x3  }
0x20: {  	v3 =	vperm.xlane v3, v2  }
0x21: {  	[tilespmem:s11], [sflag:$0x1] =	stream.indirect_vreg.gather [hbm4b:s2+s3], $0x80, v4, vm0, $0xb8;
	[tilespmem:$0x18100] =	vst v63  }
0x22: {  	s20 =	simm.s32 $0x900;
	v3 =	vadd.s32 v1, v3  }
0x23: {  	[tilespmem:s20], [sflag:$0x1] =	stream.indirect_vreg.gather [hbm4b:s7+s3], $0x80, v4, vm0, $0xb8;
	[tilespmem:$0x18100] =	vst v63  }
0x24: {  	s20 =	simm.s32 $0x1100  }
0x25: {  	[tilespmem:s20], [sflag:$0x1] =	stream.indirect_vreg.gather [hbm4b:s8+s3], $0x80, v4, vm0, $0xb8;
	[tilespmem:$0x18100] =	vst v63  }
0x26: {  	s20 =	simm.s32 $0x1900  }
0x27: {  	[tilespmem:s20], [sflag:$0x1] =	stream.indirect_vreg.gather [hbm4b:s2+s3], $0x80, v3, vm0, $0xb8;
	[tilespmem:$0x18100] =	vst v63  }
0x28: {  	s20 =	simm.s32 $0x2100  }
0x29: {  	[tilespmem:s20], [sflag:$0x1] =	stream.indirect_vreg.gather [hbm4b:s7+s3], $0x80, v3, vm0, $0xb8;
	[tilespmem:$0x18100] =	vst v63  }
0x2a: {  	s20 =	simm.s32 $0x2900  }
0x2b: {  	[tilespmem:s20], [sflag:$0x1] =	stream.indirect_vreg.gather [hbm4b:s8+s3], $0x80, v3, vm0, $0xb8;
	[tilespmem:$0x18100] =	vst v63  }
0x2c: {  	v3 =	vld [tilespmem:s14+$0x10];
	_ =	sdelay $0x4  }
0x2d: {  	v57 =	vshrl.u32 v3, $0x3  }
0x2e: {  	v4 =	vmul.u32 $0x30, v57  }
0x2f: {  	v3 =	vand.u32 $0x7, v3  }
0x30: {  	v3 =	vor.u32 v3, v4  }
0x31: {  	v4 =	vperm.xlane v3, v0;
	_ =	sdelay $0x1  }
0x32: {  	v4 =	vadd.s32 v1, v4;
	_ =	sdelay $0x3  }
0x33: {  	s20 =	simm.s32 $0x3100;
	v3 =	vperm.xlane v3, v2  }
0x34: {  	[tilespmem:s20], [sflag:$0x1] =	stream.indirect_vreg.gather [hbm4b:s2+s3], $0x80, v4, vm0, $0xb8;
	[tilespmem:$0x18100] =	vst v63  }
0x35: {  	v3 =	vadd.s32 v1, v3;
	s20 =	simm.s32 $0x3900  }
0x36: {  	[tilespmem:s20], [sflag:$0x1] =	stream.indirect_vreg.gather [hbm4b:s7+s3], $0x80, v4, vm0, $0xb8;
	[tilespmem:$0x18100] =	vst v63  }
0x37: {  	s20 =	simm.s32 $0x4100  }
0x38: {  	[tilespmem:s20], [sflag:$0x1] =	stream.indirect_vreg.gather [hbm4b:s8+s3], $0x80, v4, vm0, $0xb8;
	[tilespmem:$0x18100] =	vst v63  }
0x39: {  	s20 =	simm.s32 $0x4900  }
0x3a: {  	[tilespmem:s20], [sflag:$0x1] =	stream.indirect_vreg.gather [hbm4b:s2+s3], $0x80, v3, vm0, $0xb8;
	[tilespmem:$0x18100] =	vst v63  }
0x3b: {  	s20 =	simm.s32 $0x5100  }
0x3c: {  	[tilespmem:s20], [sflag:$0x1] =	stream.indirect_vreg.gather [hbm4b:s7+s3], $0x80, v3, vm0, $0xb8;
	[tilespmem:$0x18100] =	vst v63  }
0x3d: {  	s20 =	simm.s32 $0x5900  }
0x3e: {  	[tilespmem:s20], [sflag:$0x1] =	stream.indirect_vreg.gather [hbm4b:s8+s3], $0x80, v3, vm0, $0xb8;
	[tilespmem:$0x18100] =	vst v63  }
0x3f: {  	v3 =	vld [tilespmem:s14+$0x20];
	_ =	sdelay $0x4  }
0x40: {  	v58 =	vshrl.u32 v3, $0x3  }
0x41: {  	v4 =	vmul.u32 $0x30, v58  }
0x42: {  	v3 =	vand.u32 $0x7, v3  }
0x43: {  	v3 =	vor.u32 v3, v4  }
0x44: {  	v4 =	vperm.xlane v3, v0;
	_ =	sdelay $0x1  }
0x45: {  	v4 =	vadd.s32 v1, v4;
	_ =	sdelay $0x3  }
0x46: {  	s20 =	simm.s32 $0x6100;
	v3 =	vperm.xlane v3, v2  }
0x47: {  	[tilespmem:s20], [sflag:$0x1] =	stream.indirect_vreg.gather [hbm4b:s2+s3], $0x80, v4, vm0, $0xb8;
	[tilespmem:$0x18100] =	vst v63  }
0x48: {  	v3 =	vadd.s32 v1, v3;
	s20 =	simm.s32 $0x6900  }
0x49: {  	[tilespmem:s20], [sflag:$0x1] =	stream.indirect_vreg.gather [hbm4b:s7+s3], $0x80, v4, vm0, $0xb8;
	[tilespmem:$0x18100] =	vst v63  }
0x4a: {  	s20 =	simm.s32 $0x7100  }
0x4b: {  	[tilespmem:s20], [sflag:$0x1] =	stream.indirect_vreg.gather [hbm4b:s8+s3], $0x80, v4, vm0, $0xb8;
	[tilespmem:$0x18100] =	vst v63  }
0x4c: {  	s20 =	simm.s32 $0x7900  }
0x4d: {  	[tilespmem:s20], [sflag:$0x1] =	stream.indirect_vreg.gather [hbm4b:s2+s3], $0x80, v3, vm0, $0xb8;
	[tilespmem:$0x18100] =	vst v63  }
0x4e: {  	s20 =	simm.s32 $0x8100  }
0x4f: {  	[tilespmem:s20], [sflag:$0x1] =	stream.indirect_vreg.gather [hbm4b:s7+s3], $0x80, v3, vm0, $0xb8;
	[tilespmem:$0x18100] =	vst v63  }
0x50: {  	s20 =	simm.s32 $0x8900  }
0x51: {  	[tilespmem:s20], [sflag:$0x1] =	stream.indirect_vreg.gather [hbm4b:s8+s3], $0x80, v3, vm0, $0xb8;
	[tilespmem:$0x18100] =	vst v63  }
0x52: {  	v3 =	vld [tilespmem:s14+$0x30];
	_ =	sdelay $0x4  }
0x53: {  	v59 =	vshrl.u32 v3, $0x3  }
0x54: {  	v4 =	vmul.u32 $0x30, v59  }
0x55: {  	v3 =	vand.u32 $0x7, v3  }
0x56: {  	v3 =	vor.u32 v3, v4  }
0x57: {  	v4 =	vperm.xlane v3, v0;
	_ =	sdelay $0x1  }
0x58: {  	v4 =	vadd.s32 v1, v4;
	_ =	sdelay $0x3  }
0x59: {  	s20 =	simm.s32 $0x9100;
	v3 =	vperm.xlane v3, v2  }
0x5a: {  	[tilespmem:s20], [sflag:$0x1] =	stream.indirect_vreg.gather [hbm4b:s2+s3], $0x80, v4, vm0, $0xb8;
	[tilespmem:$0x18100] =	vst v63  }
0x5b: {  	v3 =	vadd.s32 v1, v3;
	s20 =	simm.s32 $0x9900  }
0x5c: {  	[tilespmem:s20], [sflag:$0x1] =	stream.indirect_vreg.gather [hbm4b:s7+s3], $0x80, v4, vm0, $0xb8;
	[tilespmem:$0x18100] =	vst v63  }
0x5d: {  	s20 =	simm.s32 $0xA100  }
0x5e: {  	[tilespmem:s20], [sflag:$0x1] =	stream.indirect_vreg.gather [hbm4b:s8+s3], $0x80, v4, vm0, $0xb8;
	[tilespmem:$0x18100] =	vst v63  }
0x5f: {  	s20 =	simm.s32 $0xA900  }
0x60: {  	[tilespmem:s20], [sflag:$0x1] =	stream.indirect_vreg.gather [hbm4b:s2+s3], $0x80, v3, vm0, $0xb8;
	[tilespmem:$0x18100] =	vst v63  }
0x61: {  	s20 =	simm.s32 $0xB100  }
0x62: {  	[tilespmem:s20], [sflag:$0x1] =	stream.indirect_vreg.gather [hbm4b:s7+s3], $0x80, v3, vm0, $0xb8;
	[tilespmem:$0x18100] =	vst v63  }
0x63: {  	s20 =	simm.s32 $0xB900  }
0x64: {  	[tilespmem:s20], [sflag:$0x1] =	stream.indirect_vreg.gather [hbm4b:s8+s3], $0x80, v3, vm0, $0xb8;
	[tilespmem:$0x18100] =	vst v63  }
0x65: {  	v3 =	vld [tilespmem:s14+$0x40];
	_ =	sdelay $0x4  }
0x66: {  	v60 =	vshrl.u32 v3, $0x3  }
0x67: {  	v4 =	vmul.u32 $0x30, v60  }
0x68: {  	v3 =	vand.u32 $0x7, v3  }
0x69: {  	v3 =	vor.u32 v3, v4  }
0x6a: {  	v4 =	vperm.xlane v3, v0;
	_ =	sdelay $0x1  }
0x6b: {  	v4 =	vadd.s32 v1, v4;
	_ =	sdelay $0x3  }
0x6c: {  	s20 =	simm.s32 $0xC100;
	v3 =	vperm.xlane v3, v2  }
0x6d: {  	[tilespmem:s20], [sflag:$0x1] =	stream.indirect_vreg.gather [hbm4b:s2+s3], $0x80, v4, vm0, $0xb8;
	[tilespmem:$0x18100] =	vst v63  }
0x6e: {  	v3 =	vadd.s32 v1, v3;
	s20 =	simm.s32 $0xC900  }
0x6f: {  	[tilespmem:s20], [sflag:$0x1] =	stream.indirect_vreg.gather [hbm4b:s7+s3], $0x80, v4, vm0, $0xb8;
	[tilespmem:$0x18100] =	vst v63  }
0x70: {  	s20 =	simm.s32 $0xD100  }
0x71: {  	[tilespmem:s20], [sflag:$0x1] =	stream.indirect_vreg.gather [hbm4b:s8+s3], $0x80, v4, vm0, $0xb8;
	[tilespmem:$0x18100] =	vst v63  }
0x72: {  	s20 =	simm.s32 $0xD900  }
0x73: {  	[tilespmem:s20], [sflag:$0x1] =	stream.indirect_vreg.gather [hbm4b:s2+s3], $0x80, v3, vm0, $0xb8;
	[tilespmem:$0x18100] =	vst v63  }
0x74: {  	_ = 	snop  }
0x75: {  	[tilespmem:s21], [sflag:$0x1] =	stream.indirect_vreg.gather [hbm4b:s7+s3], $0x80, v3, vm0, $0xb8;
	[tilespmem:$0x18100] =	vst v63  }
0x76: {  	_ = 	snop  }
0x77: {  	[tilespmem:s22], [sflag:$0x1] =	stream.indirect_vreg.gather [hbm4b:s8+s3], $0x80, v3, vm0, $0xb8;
	[tilespmem:$0x18100] =	vst v63  }
0x78: {  	v3 =	vld [tilespmem:s14+$0x50];
	_ =	sdelay $0x4  }
0x79: {  	v61 =	vshrl.u32 v3, $0x3  }
0x7a: {  	v4 =	vmul.u32 $0x30, v61  }
0x7b: {  	v3 =	vand.u32 $0x7, v3  }
0x7c: {  	v3 =	vor.u32 v3, v4  }
0x7d: {  	v4 =	vperm.xlane v3, v0;
	_ =	sdelay $0x1  }
0x7e: {  	v4 =	vadd.s32 v1, v4;
	_ =	sdelay $0x3  }
0x7f: {  	v3 =	vperm.xlane v3, v2  }
0x80: {  	[tilespmem:s23], [sflag:$0x1] =	stream.indirect_vreg.gather [hbm4b:s2+s3], $0x80, v4, vm0, $0xb8;
	[tilespmem:$0x18100] =	vst v63  }
0x81: {  	v3 =	vadd.s32 v1, v3  }
0x82: {  	[tilespmem:s24], [sflag:$0x1] =	stream.indirect_vreg.gather [hbm4b:s7+s3], $0x80, v4, vm0, $0xb8;
	[tilespmem:$0x18100] =	vst v63  }
0x83: {  	_ = 	snop  }
0x84: {  	[tilespmem:s25], [sflag:$0x1] =	stream.indirect_vreg.gather [hbm4b:s8+s3], $0x80, v4, vm0, $0xb8;
	[tilespmem:$0x18100] =	vst v63  }
0x85: {  	_ = 	snop  }
0x86: {  	[tilespmem:s26], [sflag:$0x1] =	stream.indirect_vreg.gather [hbm4b:s2+s3], $0x80, v3, vm0, $0xb8;
	[tilespmem:$0x18100] =	vst v63  }
0x87: {  	_ = 	snop  }
0x88: {  	[tilespmem:s28], [sflag:$0x1] =	stream.indirect_vreg.gather [hbm4b:s7+s3], $0x80, v3, vm0, $0xb8;
	[tilespmem:$0x18100] =	vst v63  }
0x89: {  	_ = 	snop  }
0x8a: {  	[tilespmem:s29], [sflag:$0x1] =	stream.indirect_vreg.gather [hbm4b:s8+s3], $0x80, v3, vm0, $0xb8;
	[tilespmem:$0x18100] =	vst v63  }
0x8b: {  	v3 =	vld [tilespmem:s14+$0x60];
	_ =	sdelay $0x4  }
0x8c: {  	v62 =	vshrl.u32 v3, $0x3  }
0x8d: {  	v4 =	vmul.u32 $0x30, v62  }
0x8e: {  	v3 =	vand.u32 $0x7, v3  }
0x8f: {  	v3 =	vor.u32 v3, v4  }
0x90: {  	v4 =	vperm.xlane v3, v0;
	_ =	sdelay $0x1  }
0x91: {  	v4 =	vadd.s32 v1, v4;
	_ =	sdelay $0x3  }
0x92: {  	v3 =	vperm.xlane v3, v2  }
0x93: {  	[tilespmem:s30], [sflag:$0x1] =	stream.indirect_vreg.gather [hbm4b:s2+s3], $0x80, v4, vm0, $0xb8;
	[tilespmem:$0x18100] =	vst v63  }
0x94: {  	v3 =	vadd.s32 v1, v3  }
0x95: {  	[tilespmem:s31], [sflag:$0x1] =	stream.indirect_vreg.gather [hbm4b:s7+s3], $0x80, v4, vm0, $0xb8;
	[tilespmem:$0x18100] =	vst v63  }
0x96: {  	_ = 	snop  }
0x97: {  	[tilespmem:s0], [sflag:$0x1] =	stream.indirect_vreg.gather [hbm4b:s8+s3], $0x80, v4, vm0, $0xb8;
	[tilespmem:$0x18100] =	vst v63  }
0x98: {  	_ = 	snop  }
0x99: {  	[tilespmem:s1], [sflag:$0x1] =	stream.indirect_vreg.gather [hbm4b:s2+s3], $0x80, v3, vm0, $0xb8;
	[tilespmem:$0x18100] =	vst v63  }
0x9a: {  	_ = 	snop  }
0x9b: {  	[tilespmem:s6], [sflag:$0x1] =	stream.indirect_vreg.gather [hbm4b:s7+s3], $0x80, v3, vm0, $0xb8;
	[tilespmem:$0x18100] =	vst v63  }
0x9c: {  	_ = 	snop  }
0x9d: {  	[tilespmem:s9], [sflag:$0x1] =	stream.indirect_vreg.gather [hbm4b:s8+s3], $0x80, v3, vm0, $0xb8;
	[tilespmem:$0x18100] =	vst v63  }
0x9e: {  	v3 =	vld [tilespmem:s14+$0x70];
	_ =	sdelay $0x4  }
0x9f: {  	v63 =	vshrl.u32 v3, $0x3  }
0xa0: {  	v4 =	vmul.u32 $0x30, v63  }
0xa1: {  	v3 =	vand.u32 $0x7, v3  }
0xa2: {  	v3 =	vor.u32 v3, v4  }
0xa3: {  	v4 =	vperm.xlane v3, v0;
	_ =	sdelay $0x1  }
0xa4: {  	v4 =	vadd.s32 v1, v4;
	_ =	sdelay $0x3  }
0xa5: {  	v3 =	vperm.xlane v3, v2  }
0xa6: {  	[tilespmem:s12], [sflag:$0x1] =	stream.indirect_vreg.gather [hbm4b:s2+s3], $0x80, v4, vm0, $0xb8;
	[tilespmem:$0x18100] =	vst v63  }
0xa7: {  	v3 =	vadd.s32 v1, v3  }
0xa8: {  	[tilespmem:s15], [sflag:$0x1] =	stream.indirect_vreg.gather [hbm4b:s7+s3], $0x80, v4, vm0, $0xb8;
	[tilespmem:$0x18100] =	vst v63  }
0xa9: {  	_ = 	snop  }
0xaa: {  	[tilespmem:s16], [sflag:$0x1] =	stream.indirect_vreg.gather [hbm4b:s8+s3], $0x80, v4, vm0, $0xb8;
	[tilespmem:$0x18100] =	vst v63  }
0xab: {  	_ = 	snop  }
0xac: {  	[tilespmem:s17], [sflag:$0x1] =	stream.indirect_vreg.gather [hbm4b:s2+s3], $0x80, v3, vm0, $0xb8;
	[tilespmem:$0x18100] =	vst v63  }
0xad: {  	s20 =	sor.u32 s4, s13  }
0xae: {  	[tilespmem:s18], [sflag:$0x1] =	stream.indirect_vreg.gather [hbm4b:s7+s3], $0x80, v3, vm0, $0xb8;
	[tilespmem:$0x18100] =	vst v63  }
0xaf: {  	s13 =	simm.s32 $0x1;
	s14 =	sshrl.u32 s20, $0x3  }
0xb0: {  	[tilespmem:s19], [sflag:$0x1] =	stream.indirect_vreg.gather [hbm4b:s8+s3], $0x80, v3, vm0, $0xb8;
	[tilespmem:$0x18100] =	vst v63  }
0xb1: {  	s14 =	smul.u32 $0x300, s14;
	_ =	swait.ge [sflag:s13], $0x18000  }
0xb2: {  	p1 =	por p0, p0;
	[sflag:s13] =	ssyncset.done $0x0  }
.Ltmp0:
0xb3: {  	s14 =	sadd.s32 s5, s14;
	[sflag:s13] =	ssyncadd.s32 $0xFFFE8000;
	(pc) =	sbr.rel @p1 .LBB2_2-.Ltmp0, $4  }
0xb4: {  	[hbm4b:s14+s3] =	stream.linear.scatter [tilespmem:s11], [sflag:$0x2], $0x18000, $0x38;
	[tilespmem:$0x18100] =	vst v63  }
0xb5: {  	_ =	swait.ge [sflag:s10], $0x18000  }
0xb6: {  	[sflag:s10] =	ssyncset.done $0x0  }
0xb7: {  	p0 =	por $0x0, $0x0;
	[sflag:s10] =	ssyncadd.s32 $0xFFFE8000  }
0xb8: {  	s0 =	rddreg [dreg:$0x5]  }
0xb9: {  	s13 =	rddreg [dreg:$0x4];
	s0 =	sadd.s32 $0x1, s0  }
0xba: {  	p0 =	sne.s32 s0, s13  }
.Ltmp1:
0xbb: {  	_ = 	snop;
	(pc) =	sbr.rel @p0 .LBB2_1-.Ltmp1, $1  }
0xbc: {  	_ =	sdelay $0x3  }
0xbd: {  	_ =	sfence.sel $0x180000  }
0xbe: {  	[bflag:$0x0] =	sbarrier.arrive $0xFFFF  }
0xbf: {  	_ =	strace $0x90000047  }
0xc0: {  	s0 =	stileid.u32;
	[bflag:$0x2] =	sbarrier.arrive $0xFFFF  }
0xc1: {  	p0 =	sne.s32 s0, $0x0;
	s0 =	rddreg [dreg:$0x2]  }
0xc2: {  	s0 =	sadd.s32 @!p0 $0x100000, s0  }
0xc3: {  	[sflag:s0] =	ssyncadd.tile.s32 @!p0 $0x1;
	_ =	shalt  }
.Lfunc_end2:
_tile_overlayer_lowered:
.L_overlay_start_2:
0xc4: {  	(tag) =	ssettag $0x2  }
0xc5: {  	s0 =	rddreg [dreg:$0x0];
	s2 =	stileid.u32  }
0xc6: {  	s1 =	rddreg [dreg:$0x1];
	p0 =	sne.s32 s2, $0x0  }
0xc7: {  	s3 =	rddreg [dreg:$0x2];
	[bflag:$0x3] =	sbarrier.arrive $0xFFFF;
	s2 =	simm.s32 @!p0 $0x1C02  }
0xc8: {  	[timem:s3], [sflag:s2] =	dma.local @!p0 [hbm:s0], s1  }
0xc9: {  	s0 =	simm.s32 @!p0 $0x2  }
0xca: {  	_ =	swait.ge @!p0 [sflag:s0], s1  }
0xcb: {  	s1 =	ssub.s32 @!p0 $0x0, s1;
	[sflag:s0] =	ssyncset.done @!p0 $0x0  }
0xcc: {  	[sflag:s0] =	ssyncadd.s32 @!p0 s1  }
0xcd: {  	[bflag:$0x3] =	sbarrier.arrive $0xFFFF  }
0xce: {  	_ =	shalt  }

// kernel: kernel.13.cloned.1.call-start
scs
__scs_entry_jumppad:
0x0: {  	(pc) =	sbr.rel $0x88, $3  }
0x1: {  	(tag) =	ssettag $0x0;
	lr =	simm.s32 $0x1  }
0x2: {  	[smem:$0x3F9B] =	sst lr;
	_ =	strace $0xD0000000  }
0x3: {  	_ = 	snop  }
0x4: {  	_ = 	snop  }
0x5: {  	_ = 	snop  }
0x6: {  	_ = 	snop  }
0x7: {  	_ = 	snop  }
__scs_overlays_trampoline_lowered:
0x8: {  	[smem:$0x3FAA] =	sst s0  }
0x9: {  	[smem:$0x3FAB] =	sst s1  }
0xa: {  	[smem:$0x3FAC] =	sst s2  }
0xb: {  	[smem:$0x3FAD] =	sst s3  }
0xc: {  	[smem:$0x3FAE] =	sst s4  }
0xd: {  	[smem:$0x3FAF] =	sst s5  }
0xe: {  	[smem:$0x3FB0] =	sst s6  }
0xf: {  	[smem:$0x3FB1] =	sst s7  }
0x10: {  	[smem:$0x3FB2] =	sst s8  }
0x11: {  	[smem:$0x3FB3] =	sst s9;
	s0 =	simm.s32 @!p0 $0x0  }
0x12: {  	s1 =	sld [smem:$0x3F99];
	s0 =	simm.s32 @p0 $0x1  }
0x13: {  	[smem:$0x3FB4] =	sst s0;
	s0 =	simm.s32 @!p1 $0x0  }
0x14: {  	s2 =	sld [smem:$0x3F98];
	s0 =	simm.s32 @p1 $0x1  }
0x15: {  	[smem:$0x3FB5] =	sst s0;
	s0 =	simm.s32 @!p2 $0x0  }
0x16: {  	s3 =	sld [smem:$0x3FDB];
	s0 =	simm.s32 @p2 $0x1  }
0x17: {  	s4 =	simm.s32 $0x1BF5;
	[smem:$0x3FB7] =	sst s0  }
0x18: {  	s0 =	sld [smem:$0x3F9A];
	_ =	swait.ge [sflag:s4], $0x0  }
0x19: {  	s7 =	sld [smem:$0x3F9B]  }
0x1a: {  	s8 =	sadd.s32 $0xFFFFE003, lr  }
0x1b: {  	s9 =	sadd.s32 $0xFFFFFEF7, lr;
	s5 =	simm.s32 $0xFFFFFFFF;
	p2 =	slt.u32 s8, $0xFFFFF086  }
0x1c: {  	p1 =	slt.u32 s9, $0xF7A;
	s5 =	simm.s32 @!p2 $0x0  }
0x1d: {  	s5 =	simm.s32 @p1 $0x1;
	p0 =	seq.s32 s7, s2  }
0x1e: {  	s7 =	smul.u32 @!p0 $0xF7A, s2;
	p2 =	seq.s32 @!p0 s5, $0x0  }
0x1f: {  	s9 =	smul.u32 $0xF7A, s1;
	s8 =	simm.s32 @!p0 $0x1BF5;
	p2 =	por !p2, p0  }
0x20: {  	[sflag:s8] =	ssyncset.s32 @!p0 $0xFFFFF086;
	s6 =	sadd.s32 @!p0 s3, s7;
	s7 =	simm.s32 @!p0 $0x108  }
0x21: {  	s3 =	sadd.s32 s3, s9;
	s6 =	sadd.s32 @!p0 $0x88, s6;
	s7 =	simm.s32 @p2 $0x1082  }
0x22: {  	[simem:s7], [sflag:s8] =	dma.local @!p0 [hbm:s6], $0xF7A  }
0x23: {  	s9 =	sor.u32 $0xD0000000, s2;
	s6 =	simm.s32 $0x108;
	_ =	swait.ge @!p0 [sflag:s8], $0x0  }
0x24: {  	s3 =	sadd.s32 $0x88, s3;
	s6 =	simm.s32 @!p1 $0x1082;
	[sflag:s4] =	ssyncset.s32 $0xFFFFF086  }
0x25: {  	[simem:s6], [sflag:s4] =	dma.local [hbm:s3], $0xF7A  }
0x26: {  	[smem:$0x3F9B] =	sst s1;
	(tag) =	ssettag s2;
	_ =	strace s9  }
0x27: {  	s1 =	sld [smem:$0x3FAB]  }
0x28: {  	s2 =	sld [smem:$0x3FAC]  }
0x29: {  	s4 =	sld [smem:$0x3FAE]  }
0x2a: {  	p0 =	seq.s32 s5, $0x0;
	s5 =	sld [smem:$0x3FAF]  }
0x2b: {  	s6 =	sld [smem:$0x3FB0]  }
0x2c: {  	s7 =	sld [smem:$0x3FB1]  }
0x2d: {  	s3 =	simm.s32 $0x108;
	s8 =	sld [smem:$0x3FB2]  }
0x2e: {  	s3 =	simm.s32 @!p0 $0x1082;
	s9 =	sld [smem:$0x3FB3]  }
0x2f: {  	lr =	sadd.s32 s0, s3;
	s0 =	sld [smem:$0x3FAA]  }
0x30: {  	s3 =	sld [smem:$0x3FAD]  }
0x31: {  	[smem:$0x3FB6] =	sst s10  }
0x32: {  	s10 =	sld [smem:$0x3FB4];
	_ =	sdelay $0x3  }
0x33: {  	p0 =	seq.s32 s10, $0x1;
	s10 =	sld [smem:$0x3FB6];
	_ =	sdelay $0x3  }
0x34: {  	[smem:$0x3FB6] =	sst s10  }
0x35: {  	s10 =	sld [smem:$0x3FB5];
	_ =	sdelay $0x3  }
0x36: {  	p1 =	seq.s32 s10, $0x1;
	s10 =	sld [smem:$0x3FB6];
	_ =	sdelay $0x3  }
0x37: {  	[smem:$0x3FB6] =	sst s10  }
0x38: {  	s10 =	sld [smem:$0x3FB7]  }
0x39: {  	_ = 	snop;
	(pc) =	sbr.ind lr, $3  }
0x3a: {  	_ = 	snop  }
0x3b: {  	_ = 	snop  }
0x3c: {  	p2 =	seq.s32 s10, $0x1;
	s10 =	sld [smem:$0x3FB6]  }
0x3d: {  	_ =	shalt  }
0x3e: {  	_ =	shalt  }
0x3f: {  	_ =	shalt  }
0x40: {  	_ =	shalt  }
0x41: {  	_ =	shalt  }
0x42: {  	_ =	shalt  }
0x43: {  	_ =	shalt  }
0x44: {  	_ =	shalt  }
0x45: {  	_ =	shalt  }
0x46: {  	_ =	shalt  }
0x47: {  	_ =	shalt  }
0x48: {  	_ =	shalt  }
0x49: {  	_ =	shalt  }
0x4a: {  	_ =	shalt  }
0x4b: {  	_ =	shalt  }
0x4c: {  	_ =	shalt  }
0x4d: {  	_ =	shalt  }
0x4e: {  	_ =	shalt  }
0x4f: {  	_ =	shalt  }
0x50: {  	_ =	shalt  }
0x51: {  	_ =	shalt  }
0x52: {  	_ =	shalt  }
0x53: {  	_ =	shalt  }
0x54: {  	_ =	shalt  }
0x55: {  	_ =	shalt  }
0x56: {  	_ =	shalt  }
0x57: {  	_ =	shalt  }
0x58: {  	_ =	shalt  }
0x59: {  	_ =	shalt  }
0x5a: {  	_ =	shalt  }
0x5b: {  	_ =	shalt  }
0x5c: {  	_ =	shalt  }
0x5d: {  	_ =	shalt  }
0x5e: {  	_ =	shalt  }
0x5f: {  	_ =	shalt  }
0x60: {  	_ =	shalt  }
0x61: {  	_ =	shalt  }
0x62: {  	_ =	shalt  }
0x63: {  	_ =	shalt  }
0x64: {  	_ =	shalt  }
0x65: {  	_ =	shalt  }
0x66: {  	_ =	shalt  }
0x67: {  	_ =	shalt  }
0x68: {  	_ =	shalt  }
0x69: {  	_ =	shalt  }
0x6a: {  	_ =	shalt  }
0x6b: {  	_ =	shalt  }
0x6c: {  	_ =	shalt  }
0x6d: {  	_ =	shalt  }
0x6e: {  	_ =	shalt  }
0x6f: {  	_ =	shalt  }
0x70: {  	_ =	shalt  }
0x71: {  	_ =	shalt  }
0x72: {  	_ =	shalt  }
0x73: {  	_ =	shalt  }
0x74: {  	_ =	shalt  }
0x75: {  	_ =	shalt  }
0x76: {  	_ =	shalt  }
0x77: {  	_ =	shalt  }
0x78: {  	_ =	shalt  }
0x79: {  	_ =	shalt  }
0x7a: {  	_ =	shalt  }
0x7b: {  	_ =	shalt  }
0x7c: {  	_ =	shalt  }
0x7d: {  	_ =	shalt  }
0x7e: {  	_ =	shalt  }
0x7f: {  	_ =	shalt  }
0x80: {  	_ =	shalt  }
0x81: {  	_ =	shalt  }
0x82: {  	_ =	shalt  }
0x83: {  	_ =	shalt  }
0x84: {  	_ =	shalt  }
0x85: {  	_ =	shalt  }
0x86: {  	_ =	shalt  }
0x87: {  	_ =	shalt  }
.Lfunc_end0:
.L_simem_size_0:
called_computation.1_lowered:
.L_overlay_start_0:
0x88: {  	s2 =	sld [smem:$0x3FD9]  }
0x89: {  	s3 =	sld [smem:$0x3FFE];
	_ =	sdelay $0x1  }
0x8a: {  	s1 =	srdreg.scid  }
0x8b: {  	s0 =	sand.u32 $0x1, s1  }
0x8c: {  	s17 =	sshll.u32 s0, $0xA;
	s2 =	sadd.s32 s3, s2  }
0x8d: {  	s2 =	sadd.s32 s2, s17  }
0x8e: {  	[smem:$0x3FC2] =	sst s2  }
0x8f: {  	_ = 	snop  }
0x90: {  	s18 =	sld [smem:$0x3FC8];
	(tm) =	ssettm $0x1  }
0x91: {  	s19 =	sld [smem:$0x3FFB];
	_ =	sdelay $0x3  }
0x92: {  	_ =	strace s19  }
0x93: {  	s2 =	sld [smem:$0x3FFC];
	_ =	sdelay $0x3  }
0x94: {  	_ =	strace s2  }
0x95: {  	s2 =	sld [smem:$0x3FFD];
	_ =	sdelay $0x3  }
0x96: {  	_ =	strace s2  }
0x97: {  	_ =	strace $0x8FFFFFFF  }
0x98: {  	s20 =	sld [smem:$0x3FDB];
	_ =	sdelay $0x1  }
0x99: {  	s4 =	simm.s32 $_scs_section_size  }
0x9a: {  	s5 =	simm.s32 $_size__tile_overlayer_lowered;
	s6 =	simm.s32 $_tile_overlayer_lowered  }
0x9b: {  	s7 =	simm.s32 $0x1BFF;
	s21 =	sshll.u32 s6, $0x1;
	s4 =	sadd.s32 s4, s20  }
0x9c: {  	s22 =	simm.s32 $0x0;
	s5 =	sshll.u32 s5, $0x1;
	s6 =	sadd.s32 s21, s4  }
0x9d: {  	[timem:s22], [sflag:s7] =	dma.local [hbm:s6], s5  }
0x9e: {  	_ =	swait.ge [sflag:s7], s5  }
0x9f: {  	s5 =	ssub.s32 $0x0, s5;
	[sflag:s7] =	ssyncset.done $0x0  }
0xa0: {  	[sflag:s7] =	ssyncadd.s32 s5;
	_ =	sdelay $0x1  }
0xa1: {  	s23 =	simm.s32 $0x1B8B  }
0xa2: {  	_ =	swait.ge [sflag:s23], $0x1  }
0xa3: {  	[sflag:s23] =	ssyncset.done $0x0  }
0xa4: {  	[sflag:s23] =	ssyncadd.s32 $0xFFFFFFFF  }
0xa5: {  	s5 =	sld [smem:$0x0]  }
0xa6: {  	s6 =	sand.u32 $0xFFFFFFFE, s1  }
0xa7: {  	p0 =	sne.s32 s1, s6  }
0xa8: {  	s6 =	sshll.u32 @p0 s6, $0xE  }
0xa9: {  	s6 =	sadd.s32 @p0 $0x11B8D, s6;
	s7 =	sshll.u32 @p0 s5, $0x11  }
0xaa: {  	s6 =	sor.u32 @p0 s7, s6  }
0xab: {  	[sflag:s6] =	ssyncadd.remote.s32 @p0 $0x1;
	_ =	sdelay $0x1  }
0xac: {  	s6 =	simm.s32 @p0 $0x1B8D  }
0xad: {  	_ =	swait.eq @p0 [sflag:s6], $0x1  }
0xae: {  	[sflag:s6] =	ssyncadd.s32 @p0 $0xFFFFFFFF  }
0xaf: {  	s7 =	sshll.u32 @!p0 s1, $0xE  }
0xb0: {  	s7 =	sor.u32 @!p0 $0x4000, s7;
	s6 =	simm.s32 @!p0 $0x1B8D  }
0xb1: {  	s5 =	sshll.u32 @!p0 s5, $0x11;
	s7 =	sadd.s32 @!p0 $0x11B8D, s7;
	_ =	swait.eq @!p0 [sflag:s6], $0x1  }
0xb2: {  	s5 =	sor.u32 @!p0 s5, s7;
	[sflag:s6] =	ssyncadd.s32 @!p0 $0xFFFFFFFF  }
0xb3: {  	s25 =	simm.s32 $0x1B8E;
	s24 =	sld [smem:$0x3FFE];
	[sflag:s5] =	ssyncadd.remote.s32 @!p0 $0x1  }
0xb4: {  	s26 =	simm.s32 $execute0_lowered;
	[smem:$0x3FD2] =	sst s25  }
0xb5: {  	s6 =	sshll.u32 s26, $0x1;
	_ =	strace $0x80000049;
	[dreg:$0x1] =	wrdreg $0xFFFFFFFF  }
0xb6: {  	s28 =	simm.s32 $_size_execute0_lowered;
	s4 =	sadd.s32 s4, s6;
	[dreg:$0x0] =	wrdreg $0x0  }
0xb7: {  	s6 =	sshll.u32 s28, $0x1;
	[dreg:$0x2] =	wrdreg s4  }
0xb8: {  	[dreg:$0x3] =	wrdreg s6  }
0xb9: {  	[dreg:$0x4] =	wrdreg $0xC0  }
0xba: {  	_ =	task [dreg:s22], $0x5FFFF  }
0xbb: {  	[dreg:$0x1] =	wrdreg $0xFFFFFFFF  }
0xbc: {  	[dreg:$0x0] =	wrdreg $0x60  }
0xbd: {  	[dreg:$0x2] =	wrdreg s24  }
0xbe: {  	[dreg:$0x3] =	wrdreg s18  }
0xbf: {  	[dreg:$0x4] =	wrdreg $0xA  }
0xc0: {  	_ =	task.clear_ibuf [dreg:s22], $0x5FFFF;
	_ =	strace $0x90000049  }
0xc1: {  	s29 =	simm.s32 $0xA;
	_ =	strace $0x8000004B  }
0xc2: {  	_ =	swait.ge [sflag:s29], $0x1  }
0xc3: {  	[sflag:s29] =	ssyncadd.s32 $0xFFFFFFFF  }
0xc4: {  	_ =	strace $0x9000004B  }
0xc5: {  	_ =	sfence  }
0xc6: {  	s30 =	sld [smem:$0x0];
	_ =	sdelay $0x2  }
0xc7: {  	s31 =	sshll.u32 s1, $0xD;
	s1 =	sshrl.u32 s1, $0x2  }
0xc8: {  	s4 =	sand.u32 $0x4000, s31;
	s1 =	sadd.s32 s1, s30  }
0xc9: {  	s0 =	sor.u32 s4, s0;
	s1 =	sshll.u32 s1, $0x11  }
0xca: {  	s0 =	sor.u32 s1, s0  }
0xcb: {  	s0 =	sadd.s32 $0x8F2B, s0  }
0xcc: {  	[sflag:s0] =	ssyncadd.remote.s32 $0x1  }
0xcd: {  	_ =	sfence.sel $0xFFFF  }
0xce: {  	[dreg:$0x0] =	wrdreg $0xFFFFFFFF;
	(pc) =	sbr.abs _section_cstart, $3  }
0xcf: {  	[dreg:$0x1] =	wrdreg $0xFFFFFFFF  }
0xd0: {  	_ =	task.clear_ibuf [dreg:s22], $0x2FFFF;
	_ =	strace $0x9FFFFFFF  }
0xd1: {  	(tm) =	ssettm $0x7FFFFFFF  }
tec
execute0_lowered:
.L_overlay_start_1:
0x0: {  	(tag) =	ssettag $0x1  }
0x1: {  	s0 =	srdreg.scid;
	s1 =	stileid.u32  }
0x2: {  	s4 =	rddreg [dreg:$0x0];
	s3 =	simm.s32 $0x0;
	s0 =	sand.u32 $0x1, s0  }
0x3: {  	s1 =	sshll.u32 s1, $0xA;
	[smem:$0x7FF] =	sst s3;
	s2 =	sshll.u32 s0, $0x9  }
0x4: {  	s19 =	simm.s32 $0xA00;
	s1 =	sor.u32 s2, s1;
	s2 =	rddreg [dreg:$0x1]  }
0x5: {  	s20 =	simm.s32 $0x1200;
	_ =	strace $0x8000004A;
	[dreg:$0x4] =	wrdreg s19  }
0x6: {  	s21 =	simm.s32 $0x1A00;
	[dreg:$0x5] =	wrdreg s20  }
0x7: {  	s22 =	simm.s32 $0x2200;
	[dreg:$0x6] =	wrdreg s21  }
0x8: {  	s23 =	simm.s32 $0x2A00;
	[dreg:$0x7] =	wrdreg s22  }
0x9: {  	s24 =	simm.s32 $0x3200;
	[dreg:$0x8] =	wrdreg s23  }
0xa: {  	s25 =	simm.s32 $0x3A00;
	[dreg:$0x9] =	wrdreg s24  }
0xb: {  	s26 =	simm.s32 $0x4200;
	[dreg:$0xa] =	wrdreg s25  }
0xc: {  	s6 =	simm.s32 $0x4A00;
	[dreg:$0xb] =	wrdreg s26  }
0xd: {  	s7 =	simm.s32 $0x5200;
	[dreg:$0xc] =	wrdreg s6  }
0xe: {  	s8 =	simm.s32 $0x5A00;
	[dreg:$0xd] =	wrdreg s7  }
0xf: {  	s9 =	simm.s32 $0x6200;
	[dreg:$0xe] =	wrdreg s8  }
0x10: {  	s10 =	simm.s32 $0x6A00;
	[dreg:$0xf] =	wrdreg s9  }
0x11: {  	s11 =	simm.s32 $0x7200;
	[dreg:$0x10] =	wrdreg s10  }
0x12: {  	s12 =	simm.s32 $0x7A00;
	[dreg:$0x11] =	wrdreg s11  }
0x13: {  	s13 =	simm.s32 $0x8200;
	[dreg:$0x12] =	wrdreg s12  }
0x14: {  	s14 =	simm.s32 $0x8A00;
	s15 =	simm.s32 $0x9200;
	[dreg:$0x13] =	wrdreg s13  }
0x15: {  	s16 =	simm.s32 $0x9A00;
	s17 =	simm.s32 $0xA200;
	[dreg:$0x14] =	wrdreg s14  }
0x16: {  	s18 =	simm.s32 $0xAA00;
	s28 =	simm.s32 $0x17200;
	[dreg:$0x15] =	wrdreg s15  }
0x17: {  	s29 =	simm.s32 $0x17A00;
	s30 =	simm.s32 $0x1;
	[dreg:$0x16] =	wrdreg s16  }
0x18: {  	s31 =	simm.s32 $0x0;
	s0 =	ssub.s32 $0x2, s0;
	[dreg:$0x17] =	wrdreg s17  }
0x19: {  	[dreg:$0x18] =	wrdreg s18;
	s19 =	simm.s32 $0xB200;
	s20 =	sshrl.u32 s0, $0x1  }
0x1a: {  	s21 =	simm.s32 $0xBA00;
	s22 =	simm.s32 $0xC200;
	s23 =	simm.s32 $0xCA00  }
0x1b: {  	s24 =	simm.s32 $0xD200;
	s25 =	simm.s32 $0xDA00;
	s26 =	simm.s32 $0xE200  }
0x1c: {  	s8 =	simm.s32 $0x2;
	s9 =	simm.s32 $0x200;
	[dreg:$0x19] =	wrdreg s19  }
0x1d: {  	s10 =	simm.s32 $0xEA00;
	s11 =	simm.s32 $0xF200;
	[dreg:$0x1a] =	wrdreg s21  }
0x1e: {  	s12 =	simm.s32 $0xFA00;
	s13 =	simm.s32 $0x10200;
	[dreg:$0x1b] =	wrdreg s22  }
0x1f: {  	s14 =	simm.s32 $0x10A00;
	s15 =	simm.s32 $0x11200;
	[dreg:$0x1c] =	wrdreg s23  }
0x20: {  	s16 =	simm.s32 $0x11A00;
	s17 =	simm.s32 $0x12200;
	[dreg:$0x1d] =	wrdreg s24  }
0x21: {  	s18 =	simm.s32 $0x12A00;
	s1 =	sshrl.u32 s1, $0x3;
	[dreg:$0x1e] =	wrdreg s25  }
0x22: {  	s0 =	ssub.s32 s0, s20;
	s6 =	sadd.s32 $0x200, s2;
	[dreg:$0x1f] =	wrdreg s26  }
0x23: {  	s19 =	simm.s32 $0x13200;
	s20 =	simm.s32 $0x13A00;
	s21 =	simm.s32 $0x14200  }
0x24: {  	s22 =	simm.s32 $0x14A00;
	s23 =	simm.s32 $0x15200;
	s5 =	smul.u32 $0x300, s1  }
0x25: {  	s24 =	simm.s32 $0x15A00;
	s1 =	sadd.s32 s1, s4;
	s0 =	smax.u32 s0, $0x1  }
0x26: {  	v2 =	vlaneseq.u32;
	s1 =	sadd.s32 $0xC2E00, s1;
	[smem:$0x7FD] =	sst s0;
	s5 =	sadd.s32 s5, s4  }
0x27: {  	vm0 =	vmmov $0xffff;
	v1 =	vshrl.u32 v2, $0x3;
	s25 =	simm.s32 $0x16200;
	[smem:$0x7FC] =	sst s1;
	s5 =	sadd.s32 $0xC3600, s5  }
0x28: {  	v0 =	vand.u32 $0x7, v2;
	v2 =	vor.u32 $0x8, v2;
	v1 =	vmul.u32 $0x8, v1;
	s26 =	simm.s32 $0x16A00;
	[dreg:$0x3] =	wrdreg s5;
	s5 =	sadd.s32 $0x100, s2  }
.LBB2_1:
0x29: {  	s0 =	sld [smem:$0x7FC];
	_ =	sdelay $0x2  }
0x2a: {  	[tilespmem:s3], [sflag:$0x2] =	stream.linear.gather [hbm4b:s0+s3], $0x200, $0x38;
	[tilespmem:$0x18200] =	vst v63  }
0x2b: {  	_ =	swait.ge [sflag:s8], $0x200  }
0x2c: {  	[sflag:s8] =	ssyncset.done $0x0  }
0x2d: {  	s1 =	simm.s32 $0x40;
	s0 =	simm.s32 $0x0;
	[sflag:s8] =	ssyncadd.s32 $0xFFFFFE00  }
.LBB2_2:
0x2e: {  	v3 =	vld [tilespmem:s1+$0xFFFFFFC0];
	_ =	sdelay $0x4  }
0x2f: {  	v4 =	vshrl.u32 v3, $0x3  }
0x30: {  	v4 =	vmul.u32 $0x30, v4  }
0x31: {  	v3 =	vand.u32 $0x7, v3  }
0x32: {  	v3 =	vor.u32 v3, v4  }
0x33: {  	v4 =	vperm.xlane v3, v0;
	_ =	sdelay $0x1  }
0x34: {  	v4 =	vadd.s32 v1, v4;
	_ =	sdelay $0x3  }
0x35: {  	v3 =	vperm.xlane v3, v2  }
0x36: {  	[tilespmem:s9], [sflag:$0x1] =	stream.indirect_vreg.gather [hbm4b:s2+s3], $0x80, v4, vm0, $0xb8;
	[tilespmem:$0x18200] =	vst v63  }
0x37: {  	s4 =	rddreg [dreg:$0x4];
	v3 =	vadd.s32 v1, v3  }
0x38: {  	[tilespmem:s4], [sflag:$0x1] =	stream.indirect_vreg.gather [hbm4b:s5+s3], $0x80, v4, vm0, $0xb8;
	[tilespmem:$0x18200] =	vst v63  }
0x39: {  	s7 =	rddreg [dreg:$0x5]  }
0x3a: {  	[tilespmem:s7], [sflag:$0x1] =	stream.indirect_vreg.gather [hbm4b:s6+s3], $0x80, v4, vm0, $0xb8;
	[tilespmem:$0x18200] =	vst v63  }
0x3b: {  	s4 =	rddreg [dreg:$0x6]  }
0x3c: {  	[tilespmem:s4], [sflag:$0x1] =	stream.indirect_vreg.gather [hbm4b:s2+s3], $0x80, v3, vm0, $0xb8;
	[tilespmem:$0x18200] =	vst v63  }
0x3d: {  	s7 =	rddreg [dreg:$0x7]  }
0x3e: {  	[tilespmem:s7], [sflag:$0x1] =	stream.indirect_vreg.gather [hbm4b:s5+s3], $0x80, v3, vm0, $0xb8;
	[tilespmem:$0x18200] =	vst v63  }
0x3f: {  	s4 =	rddreg [dreg:$0x8]  }
0x40: {  	[tilespmem:s4], [sflag:$0x1] =	stream.indirect_vreg.gather [hbm4b:s6+s3], $0x80, v3, vm0, $0xb8;
	[tilespmem:$0x18200] =	vst v63  }
0x41: {  	v3 =	vld [tilespmem:s1+$0xFFFFFFD0];
	_ =	sdelay $0x4  }
0x42: {  	v57 =	vshrl.u32 v3, $0x3  }
0x43: {  	v4 =	vmul.u32 $0x30, v57  }
0x44: {  	v3 =	vand.u32 $0x7, v3  }
0x45: {  	v3 =	vor.u32 v3, v4  }
0x46: {  	v4 =	vperm.xlane v3, v0;
	_ =	sdelay $0x1  }
0x47: {  	v4 =	vadd.s32 v1, v4;
	_ =	sdelay $0x3  }
0x48: {  	s4 =	rddreg [dreg:$0x9];
	v3 =	vperm.xlane v3, v2  }
0x49: {  	[tilespmem:s4], [sflag:$0x1] =	stream.indirect_vreg.gather [hbm4b:s2+s3], $0x80, v4, vm0, $0xb8;
	[tilespmem:$0x18200] =	vst v63  }
0x4a: {  	s7 =	rddreg [dreg:$0xa];
	v3 =	vadd.s32 v1, v3  }
0x4b: {  	[tilespmem:s7], [sflag:$0x1] =	stream.indirect_vreg.gather [hbm4b:s5+s3], $0x80, v4, vm0, $0xb8;
	[tilespmem:$0x18200] =	vst v63  }
0x4c: {  	s4 =	rddreg [dreg:$0xb]  }
0x4d: {  	[tilespmem:s4], [sflag:$0x1] =	stream.indirect_vreg.gather [hbm4b:s6+s3], $0x80, v4, vm0, $0xb8;
	[tilespmem:$0x18200] =	vst v63  }
0x4e: {  	s7 =	rddreg [dreg:$0xc]  }
0x4f: {  	[tilespmem:s7], [sflag:$0x1] =	stream.indirect_vreg.gather [hbm4b:s2+s3], $0x80, v3, vm0, $0xb8;
	[tilespmem:$0x18200] =	vst v63  }
0x50: {  	s4 =	rddreg [dreg:$0xd]  }
0x51: {  	[tilespmem:s4], [sflag:$0x1] =	stream.indirect_vreg.gather [hbm4b:s5+s3], $0x80, v3, vm0, $0xb8;
	[tilespmem:$0x18200] =	vst v63  }
0x52: {  	s7 =	rddreg [dreg:$0xe]  }
0x53: {  	[tilespmem:s7], [sflag:$0x1] =	stream.indirect_vreg.gather [hbm4b:s6+s3], $0x80, v3, vm0, $0xb8;
	[tilespmem:$0x18200] =	vst v63  }
0x54: {  	v3 =	vld [tilespmem:s1+$0xFFFFFFE0];
	_ =	sdelay $0x4  }
0x55: {  	v58 =	vshrl.u32 v3, $0x3  }
0x56: {  	v4 =	vmul.u32 $0x30, v58  }
0x57: {  	v3 =	vand.u32 $0x7, v3  }
0x58: {  	v3 =	vor.u32 v3, v4  }
0x59: {  	v4 =	vperm.xlane v3, v0;
	_ =	sdelay $0x1  }
0x5a: {  	v4 =	vadd.s32 v1, v4;
	_ =	sdelay $0x3  }
0x5b: {  	s4 =	rddreg [dreg:$0xf];
	v3 =	vperm.xlane v3, v2  }
0x5c: {  	[tilespmem:s4], [sflag:$0x1] =	stream.indirect_vreg.gather [hbm4b:s2+s3], $0x80, v4, vm0, $0xb8;
	[tilespmem:$0x18200] =	vst v63  }
0x5d: {  	s7 =	rddreg [dreg:$0x10];
	v3 =	vadd.s32 v1, v3  }
0x5e: {  	[tilespmem:s7], [sflag:$0x1] =	stream.indirect_vreg.gather [hbm4b:s5+s3], $0x80, v4, vm0, $0xb8;
	[tilespmem:$0x18200] =	vst v63  }
0x5f: {  	s4 =	rddreg [dreg:$0x11]  }
0x60: {  	[tilespmem:s4], [sflag:$0x1] =	stream.indirect_vreg.gather [hbm4b:s6+s3], $0x80, v4, vm0, $0xb8;
	[tilespmem:$0x18200] =	vst v63  }
0x61: {  	s7 =	rddreg [dreg:$0x12]  }
0x62: {  	[tilespmem:s7], [sflag:$0x1] =	stream.indirect_vreg.gather [hbm4b:s2+s3], $0x80, v3, vm0, $0xb8;
	[tilespmem:$0x18200] =	vst v63  }
0x63: {  	s4 =	rddreg [dreg:$0x13]  }
0x64: {  	[tilespmem:s4], [sflag:$0x1] =	stream.indirect_vreg.gather [hbm4b:s5+s3], $0x80, v3, vm0, $0xb8;
	[tilespmem:$0x18200] =	vst v63  }
0x65: {  	s7 =	rddreg [dreg:$0x14]  }
0x66: {  	[tilespmem:s7], [sflag:$0x1] =	stream.indirect_vreg.gather [hbm4b:s6+s3], $0x80, v3, vm0, $0xb8;
	[tilespmem:$0x18200] =	vst v63  }
0x67: {  	v3 =	vld [tilespmem:s1+$0xFFFFFFF0];
	_ =	sdelay $0x4  }
0x68: {  	v59 =	vshrl.u32 v3, $0x3  }
0x69: {  	v4 =	vmul.u32 $0x30, v59  }
0x6a: {  	v3 =	vand.u32 $0x7, v3  }
0x6b: {  	v3 =	vor.u32 v3, v4  }
0x6c: {  	v4 =	vperm.xlane v3, v0;
	_ =	sdelay $0x1  }
0x6d: {  	v4 =	vadd.s32 v1, v4;
	_ =	sdelay $0x3  }
0x6e: {  	s4 =	rddreg [dreg:$0x15];
	v3 =	vperm.xlane v3, v2  }
0x6f: {  	[tilespmem:s4], [sflag:$0x1] =	stream.indirect_vreg.gather [hbm4b:s2+s3], $0x80, v4, vm0, $0xb8;
	[tilespmem:$0x18200] =	vst v63  }
0x70: {  	s7 =	rddreg [dreg:$0x16];
	v3 =	vadd.s32 v1, v3  }
0x71: {  	[tilespmem:s7], [sflag:$0x1] =	stream.indirect_vreg.gather [hbm4b:s5+s3], $0x80, v4, vm0, $0xb8;
	[tilespmem:$0x18200] =	vst v63  }
0x72: {  	s4 =	rddreg [dreg:$0x17]  }
0x73: {  	[tilespmem:s4], [sflag:$0x1] =	stream.indirect_vreg.gather [hbm4b:s6+s3], $0x80, v4, vm0, $0xb8;
	[tilespmem:$0x18200] =	vst v63  }
0x74: {  	s7 =	rddreg [dreg:$0x18]  }
0x75: {  	[tilespmem:s7], [sflag:$0x1] =	stream.indirect_vreg.gather [hbm4b:s2+s3], $0x80, v3, vm0, $0xb8;
	[tilespmem:$0x18200] =	vst v63  }
0x76: {  	s4 =	rddreg [dreg:$0x19]  }
0x77: {  	[tilespmem:s4], [sflag:$0x1] =	stream.indirect_vreg.gather [hbm4b:s5+s3], $0x80, v3, vm0, $0xb8;
	[tilespmem:$0x18200] =	vst v63  }
0x78: {  	s7 =	rddreg [dreg:$0x1a]  }
0x79: {  	[tilespmem:s7], [sflag:$0x1] =	stream.indirect_vreg.gather [hbm4b:s6+s3], $0x80, v3, vm0, $0xb8;
	[tilespmem:$0x18200] =	vst v63  }
0x7a: {  	v3 =	vld [tilespmem:s1+$0x0];
	_ =	sdelay $0x4  }
0x7b: {  	v60 =	vshrl.u32 v3, $0x3  }
0x7c: {  	v4 =	vmul.u32 $0x30, v60  }
0x7d: {  	v3 =	vand.u32 $0x7, v3  }
0x7e: {  	v3 =	vor.u32 v3, v4  }
0x7f: {  	v4 =	vperm.xlane v3, v0;
	_ =	sdelay $0x1  }
0x80: {  	v4 =	vadd.s32 v1, v4;
	_ =	sdelay $0x3  }
0x81: {  	s4 =	rddreg [dreg:$0x1b];
	v3 =	vperm.xlane v3, v2  }
0x82: {  	[tilespmem:s4], [sflag:$0x1] =	stream.indirect_vreg.gather [hbm4b:s2+s3], $0x80, v4, vm0, $0xb8;
	[tilespmem:$0x18200] =	vst v63  }
0x83: {  	s7 =	rddreg [dreg:$0x1c];
	v3 =	vadd.s32 v1, v3  }
0x84: {  	[tilespmem:s7], [sflag:$0x1] =	stream.indirect_vreg.gather [hbm4b:s5+s3], $0x80, v4, vm0, $0xb8;
	[tilespmem:$0x18200] =	vst v63  }
0x85: {  	s4 =	rddreg [dreg:$0x1d]  }
0x86: {  	[tilespmem:s4], [sflag:$0x1] =	stream.indirect_vreg.gather [hbm4b:s6+s3], $0x80, v4, vm0, $0xb8;
	[tilespmem:$0x18200] =	vst v63  }
0x87: {  	s7 =	rddreg [dreg:$0x1e]  }
0x88: {  	[tilespmem:s7], [sflag:$0x1] =	stream.indirect_vreg.gather [hbm4b:s2+s3], $0x80, v3, vm0, $0xb8;
	[tilespmem:$0x18200] =	vst v63  }
0x89: {  	s4 =	rddreg [dreg:$0x1f]  }
0x8a: {  	[tilespmem:s4], [sflag:$0x1] =	stream.indirect_vreg.gather [hbm4b:s5+s3], $0x80, v3, vm0, $0xb8;
	[tilespmem:$0x18200] =	vst v63  }
0x8b: {  	_ = 	snop  }
0x8c: {  	[tilespmem:s10], [sflag:$0x1] =	stream.indirect_vreg.gather [hbm4b:s6+s3], $0x80, v3, vm0, $0xb8;
	[tilespmem:$0x18200] =	vst v63  }
0x8d: {  	v3 =	vld [tilespmem:s1+$0x10];
	_ =	sdelay $0x4  }
0x8e: {  	v61 =	vshrl.u32 v3, $0x3  }
0x8f: {  	v4 =	vmul.u32 $0x30, v61  }
0x90: {  	v3 =	vand.u32 $0x7, v3  }
0x91: {  	v3 =	vor.u32 v3, v4  }
0x92: {  	v4 =	vperm.xlane v3, v0;
	_ =	sdelay $0x1  }
0x93: {  	v4 =	vadd.s32 v1, v4;
	_ =	sdelay $0x3  }
0x94: {  	v3 =	vperm.xlane v3, v2  }
0x95: {  	[tilespmem:s11], [sflag:$0x1] =	stream.indirect_vreg.gather [hbm4b:s2+s3], $0x80, v4, vm0, $0xb8;
	[tilespmem:$0x18200] =	vst v63  }
0x96: {  	v3 =	vadd.s32 v1, v3  }
0x97: {  	[tilespmem:s12], [sflag:$0x1] =	stream.indirect_vreg.gather [hbm4b:s5+s3], $0x80, v4, vm0, $0xb8;
	[tilespmem:$0x18200] =	vst v63  }
0x98: {  	_ = 	snop  }
0x99: {  	[tilespmem:s13], [sflag:$0x1] =	stream.indirect_vreg.gather [hbm4b:s6+s3], $0x80, v4, vm0, $0xb8;
	[tilespmem:$0x18200] =	vst v63  }
0x9a: {  	_ = 	snop  }
0x9b: {  	[tilespmem:s14], [sflag:$0x1] =	stream.indirect_vreg.gather [hbm4b:s2+s3], $0x80, v3, vm0, $0xb8;
	[tilespmem:$0x18200] =	vst v63  }
0x9c: {  	_ = 	snop  }
0x9d: {  	[tilespmem:s15], [sflag:$0x1] =	stream.indirect_vreg.gather [hbm4b:s5+s3], $0x80, v3, vm0, $0xb8;
	[tilespmem:$0x18200] =	vst v63  }
0x9e: {  	_ = 	snop  }
0x9f: {  	[tilespmem:s16], [sflag:$0x1] =	stream.indirect_vreg.gather [hbm4b:s6+s3], $0x80, v3, vm0, $0xb8;
	[tilespmem:$0x18200] =	vst v63  }
0xa0: {  	v3 =	vld [tilespmem:s1+$0x20];
	_ =	sdelay $0x4  }
0xa1: {  	v62 =	vshrl.u32 v3, $0x3  }
0xa2: {  	v4 =	vmul.u32 $0x30, v62  }
0xa3: {  	v3 =	vand.u32 $0x7, v3  }
0xa4: {  	v3 =	vor.u32 v3, v4  }
0xa5: {  	v4 =	vperm.xlane v3, v0;
	_ =	sdelay $0x1  }
0xa6: {  	v4 =	vadd.s32 v1, v4;
	_ =	sdelay $0x3  }
0xa7: {  	v3 =	vperm.xlane v3, v2  }
0xa8: {  	[tilespmem:s17], [sflag:$0x1] =	stream.indirect_vreg.gather [hbm4b:s2+s3], $0x80, v4, vm0, $0xb8;
	[tilespmem:$0x18200] =	vst v63  }
0xa9: {  	v3 =	vadd.s32 v1, v3  }
0xaa: {  	[tilespmem:s18], [sflag:$0x1] =	stream.indirect_vreg.gather [hbm4b:s5+s3], $0x80, v4, vm0, $0xb8;
	[tilespmem:$0x18200] =	vst v63  }
0xab: {  	_ = 	snop  }
0xac: {  	[tilespmem:s19], [sflag:$0x1] =	stream.indirect_vreg.gather [hbm4b:s6+s3], $0x80, v4, vm0, $0xb8;
	[tilespmem:$0x18200] =	vst v63  }
0xad: {  	_ = 	snop  }
0xae: {  	[tilespmem:s20], [sflag:$0x1] =	stream.indirect_vreg.gather [hbm4b:s2+s3], $0x80, v3, vm0, $0xb8;
	[tilespmem:$0x18200] =	vst v63  }
0xaf: {  	_ = 	snop  }
0xb0: {  	[tilespmem:s21], [sflag:$0x1] =	stream.indirect_vreg.gather [hbm4b:s5+s3], $0x80, v3, vm0, $0xb8;
	[tilespmem:$0x18200] =	vst v63  }
0xb1: {  	_ = 	snop  }
0xb2: {  	[tilespmem:s22], [sflag:$0x1] =	stream.indirect_vreg.gather [hbm4b:s6+s3], $0x80, v3, vm0, $0xb8;
	[tilespmem:$0x18200] =	vst v63  }
0xb3: {  	v3 =	vld [tilespmem:s1+$0x30];
	_ =	sdelay $0x4  }
0xb4: {  	v63 =	vshrl.u32 v3, $0x3  }
0xb5: {  	v4 =	vmul.u32 $0x30, v63  }
0xb6: {  	v3 =	vand.u32 $0x7, v3  }
0xb7: {  	v3 =	vor.u32 v3, v4  }
0xb8: {  	v4 =	vperm.xlane v3, v0;
	_ =	sdelay $0x1  }
0xb9: {  	v4 =	vadd.s32 v1, v4;
	_ =	sdelay $0x3  }
0xba: {  	v3 =	vperm.xlane v3, v2  }
0xbb: {  	[tilespmem:s23], [sflag:$0x1] =	stream.indirect_vreg.gather [hbm4b:s2+s3], $0x80, v4, vm0, $0xb8;
	[tilespmem:$0x18200] =	vst v63  }
0xbc: {  	v3 =	vadd.s32 v1, v3  }
0xbd: {  	[tilespmem:s24], [sflag:$0x1] =	stream.indirect_vreg.gather [hbm4b:s5+s3], $0x80, v4, vm0, $0xb8;
	[tilespmem:$0x18200] =	vst v63  }
0xbe: {  	_ = 	snop  }
0xbf: {  	[tilespmem:s25], [sflag:$0x1] =	stream.indirect_vreg.gather [hbm4b:s6+s3], $0x80, v4, vm0, $0xb8;
	[tilespmem:$0x18200] =	vst v63  }
0xc0: {  	_ = 	snop  }
0xc1: {  	[tilespmem:s26], [sflag:$0x1] =	stream.indirect_vreg.gather [hbm4b:s2+s3], $0x80, v3, vm0, $0xb8;
	[tilespmem:$0x18200] =	vst v63  }
0xc2: {  	_ = 	snop  }
0xc3: {  	[tilespmem:s28], [sflag:$0x1] =	stream.indirect_vreg.gather [hbm4b:s5+s3], $0x80, v3, vm0, $0xb8;
	[tilespmem:$0x18200] =	vst v63  }
0xc4: {  	_ = 	snop  }
0xc5: {  	[tilespmem:s29], [sflag:$0x1] =	stream.indirect_vreg.gather [hbm4b:s6+s3], $0x80, v3, vm0, $0xb8;
	[tilespmem:$0x18200] =	vst v63  }
0xc6: {  	_ =	swait.ge [sflag:s30], $0x18000  }
0xc7: {  	p0 =	sne.s32 s0, $0x9000;
	s7 =	rddreg [dreg:$0x3];
	[sflag:s30] =	ssyncset.done $0x0  }
.Ltmp0:
0xc8: {  	[sflag:s30] =	ssyncadd.s32 $0xFFFE8000;
	s4 =	sadd.s32 s0, s7;
	(pc) =	sbr.rel @p0 .LBB2_2-.Ltmp0, $4  }
0xc9: {  	[hbm4b:s4+s3] =	stream.linear.scatter [tilespmem:s9], [sflag:$0x2], $0x18000, $0x38;
	[tilespmem:$0x18200] =	vst v63  }
0xca: {  	_ =	swait.ge [sflag:s8], $0x18000  }
0xcb: {  	[sflag:s8] =	ssyncset.done $0x0  }
0xcc: {  	s1 =	sadd.s32 $0x80, s1;
	s0 =	sadd.s32 $0x3000, s0;
	[sflag:s8] =	ssyncadd.s32 $0xFFFE8000  }
0xcd: {  	s0 =	sld [smem:$0x7FD];
	_ =	sdelay $0x1  }
0xce: {  	s31 =	sadd.s32 $0x1, s31  }
0xcf: {  	p0 =	sne.s32 s31, s0  }
.Ltmp1:
0xd0: {  	_ = 	snop;
	(pc) =	sbr.rel @p0 .LBB2_1-.Ltmp1, $1  }
0xd1: {  	_ =	sdelay $0x3  }
0xd2: {  	_ =	sfence.sel $0x180000  }
0xd3: {  	[bflag:$0x0] =	sbarrier.arrive $0xFFFF  }
0xd4: {  	_ =	strace $0x9000004A  }
0xd5: {  	s0 =	stileid.u32;
	[bflag:$0x2] =	sbarrier.arrive $0xFFFF  }
0xd6: {  	p0 =	sne.s32 s0, $0x0;
	s0 =	rddreg [dreg:$0x2]  }
0xd7: {  	s0 =	sadd.s32 @!p0 $0x100000, s0  }
0xd8: {  	[sflag:s0] =	ssyncadd.tile.s32 @!p0 $0x1;
	_ =	shalt  }
.Lfunc_end2:
_tile_overlayer_lowered:
.L_overlay_start_2:
0xd9: {  	(tag) =	ssettag $0x2  }
0xda: {  	s0 =	rddreg [dreg:$0x0];
	s2 =	stileid.u32  }
0xdb: {  	s1 =	rddreg [dreg:$0x1];
	p0 =	sne.s32 s2, $0x0  }
0xdc: {  	s3 =	rddreg [dreg:$0x2];
	[bflag:$0x3] =	sbarrier.arrive $0xFFFF;
	s2 =	simm.s32 @!p0 $0x1C02  }
0xdd: {  	[timem:s3], [sflag:s2] =	dma.local @!p0 [hbm:s0], s1  }
0xde: {  	s0 =	simm.s32 @!p0 $0x2  }
0xdf: {  	_ =	swait.ge @!p0 [sflag:s0], s1  }
0xe0: {  	s1 =	ssub.s32 @!p0 $0x0, s1;
	[sflag:s0] =	ssyncset.done @!p0 $0x0  }
0xe1: {  	[sflag:s0] =	ssyncadd.s32 @!p0 s1  }
0xe2: {  	[bflag:$0x3] =	sbarrier.arrive $0xFFFF  }
0xe3: {  	_ =	shalt  }

// kernel: kernel.16.cloned.1.call-start
scs
__scs_entry_jumppad:
0x0: {  	(pc) =	sbr.rel $0x88, $3  }
0x1: {  	(tag) =	ssettag $0x0;
	lr =	simm.s32 $0x1  }
0x2: {  	[smem:$0x3F9B] =	sst lr;
	_ =	strace $0xD0000000  }
0x3: {  	_ = 	snop  }
0x4: {  	_ = 	snop  }
0x5: {  	_ = 	snop  }
0x6: {  	_ = 	snop  }
0x7: {  	_ = 	snop  }
__scs_overlays_trampoline_lowered:
0x8: {  	[smem:$0x3FAA] =	sst s0  }
0x9: {  	[smem:$0x3FAB] =	sst s1  }
0xa: {  	[smem:$0x3FAC] =	sst s2  }
0xb: {  	[smem:$0x3FAD] =	sst s3  }
0xc: {  	[smem:$0x3FAE] =	sst s4  }
0xd: {  	[smem:$0x3FAF] =	sst s5  }
0xe: {  	[smem:$0x3FB0] =	sst s6  }
0xf: {  	[smem:$0x3FB1] =	sst s7  }
0x10: {  	[smem:$0x3FB2] =	sst s8  }
0x11: {  	[smem:$0x3FB3] =	sst s9;
	s0 =	simm.s32 @!p0 $0x0  }
0x12: {  	s1 =	sld [smem:$0x3F99];
	s0 =	simm.s32 @p0 $0x1  }
0x13: {  	[smem:$0x3FB4] =	sst s0;
	s0 =	simm.s32 @!p1 $0x0  }
0x14: {  	s2 =	sld [smem:$0x3F98];
	s0 =	simm.s32 @p1 $0x1  }
0x15: {  	[smem:$0x3FB5] =	sst s0;
	s0 =	simm.s32 @!p2 $0x0  }
0x16: {  	s3 =	sld [smem:$0x3FDB];
	s0 =	simm.s32 @p2 $0x1  }
0x17: {  	s4 =	simm.s32 $0x1BF5;
	[smem:$0x3FB7] =	sst s0  }
0x18: {  	s0 =	sld [smem:$0x3F9A];
	_ =	swait.ge [sflag:s4], $0x0  }
0x19: {  	s7 =	sld [smem:$0x3F9B]  }
0x1a: {  	s8 =	sadd.s32 $0xFFFFE003, lr  }
0x1b: {  	s9 =	sadd.s32 $0xFFFFFEF7, lr;
	s5 =	simm.s32 $0xFFFFFFFF;
	p2 =	slt.u32 s8, $0xFFFFF086  }
0x1c: {  	p1 =	slt.u32 s9, $0xF7A;
	s5 =	simm.s32 @!p2 $0x0  }
0x1d: {  	s5 =	simm.s32 @p1 $0x1;
	p0 =	seq.s32 s7, s2  }
0x1e: {  	s7 =	smul.u32 @!p0 $0xF7A, s2;
	p2 =	seq.s32 @!p0 s5, $0x0  }
0x1f: {  	s9 =	smul.u32 $0xF7A, s1;
	s8 =	simm.s32 @!p0 $0x1BF5;
	p2 =	por !p2, p0  }
0x20: {  	[sflag:s8] =	ssyncset.s32 @!p0 $0xFFFFF086;
	s6 =	sadd.s32 @!p0 s3, s7;
	s7 =	simm.s32 @!p0 $0x108  }
0x21: {  	s3 =	sadd.s32 s3, s9;
	s6 =	sadd.s32 @!p0 $0x88, s6;
	s7 =	simm.s32 @p2 $0x1082  }
0x22: {  	[simem:s7], [sflag:s8] =	dma.local @!p0 [hbm:s6], $0xF7A  }
0x23: {  	s9 =	sor.u32 $0xD0000000, s2;
	s6 =	simm.s32 $0x108;
	_ =	swait.ge @!p0 [sflag:s8], $0x0  }
0x24: {  	s3 =	sadd.s32 $0x88, s3;
	s6 =	simm.s32 @!p1 $0x1082;
	[sflag:s4] =	ssyncset.s32 $0xFFFFF086  }
0x25: {  	[simem:s6], [sflag:s4] =	dma.local [hbm:s3], $0xF7A  }
0x26: {  	[smem:$0x3F9B] =	sst s1;
	(tag) =	ssettag s2;
	_ =	strace s9  }
0x27: {  	s1 =	sld [smem:$0x3FAB]  }
0x28: {  	s2 =	sld [smem:$0x3FAC]  }
0x29: {  	s4 =	sld [smem:$0x3FAE]  }
0x2a: {  	p0 =	seq.s32 s5, $0x0;
	s5 =	sld [smem:$0x3FAF]  }
0x2b: {  	s6 =	sld [smem:$0x3FB0]  }
0x2c: {  	s7 =	sld [smem:$0x3FB1]  }
0x2d: {  	s3 =	simm.s32 $0x108;
	s8 =	sld [smem:$0x3FB2]  }
0x2e: {  	s3 =	simm.s32 @!p0 $0x1082;
	s9 =	sld [smem:$0x3FB3]  }
0x2f: {  	lr =	sadd.s32 s0, s3;
	s0 =	sld [smem:$0x3FAA]  }
0x30: {  	s3 =	sld [smem:$0x3FAD]  }
0x31: {  	[smem:$0x3FB6] =	sst s10  }
0x32: {  	s10 =	sld [smem:$0x3FB4];
	_ =	sdelay $0x3  }
0x33: {  	p0 =	seq.s32 s10, $0x1;
	s10 =	sld [smem:$0x3FB6];
	_ =	sdelay $0x3  }
0x34: {  	[smem:$0x3FB6] =	sst s10  }
0x35: {  	s10 =	sld [smem:$0x3FB5];
	_ =	sdelay $0x3  }
0x36: {  	p1 =	seq.s32 s10, $0x1;
	s10 =	sld [smem:$0x3FB6];
	_ =	sdelay $0x3  }
0x37: {  	[smem:$0x3FB6] =	sst s10  }
0x38: {  	s10 =	sld [smem:$0x3FB7]  }
0x39: {  	_ = 	snop;
	(pc) =	sbr.ind lr, $3  }
0x3a: {  	_ = 	snop  }
0x3b: {  	_ = 	snop  }
0x3c: {  	p2 =	seq.s32 s10, $0x1;
	s10 =	sld [smem:$0x3FB6]  }
0x3d: {  	_ =	shalt  }
0x3e: {  	_ =	shalt  }
0x3f: {  	_ =	shalt  }
0x40: {  	_ =	shalt  }
0x41: {  	_ =	shalt  }
0x42: {  	_ =	shalt  }
0x43: {  	_ =	shalt  }
0x44: {  	_ =	shalt  }
0x45: {  	_ =	shalt  }
0x46: {  	_ =	shalt  }
0x47: {  	_ =	shalt  }
0x48: {  	_ =	shalt  }
0x49: {  	_ =	shalt  }
0x4a: {  	_ =	shalt  }
0x4b: {  	_ =	shalt  }
0x4c: {  	_ =	shalt  }
0x4d: {  	_ =	shalt  }
0x4e: {  	_ =	shalt  }
0x4f: {  	_ =	shalt  }
0x50: {  	_ =	shalt  }
0x51: {  	_ =	shalt  }
0x52: {  	_ =	shalt  }
0x53: {  	_ =	shalt  }
0x54: {  	_ =	shalt  }
0x55: {  	_ =	shalt  }
0x56: {  	_ =	shalt  }
0x57: {  	_ =	shalt  }
0x58: {  	_ =	shalt  }
0x59: {  	_ =	shalt  }
0x5a: {  	_ =	shalt  }
0x5b: {  	_ =	shalt  }
0x5c: {  	_ =	shalt  }
0x5d: {  	_ =	shalt  }
0x5e: {  	_ =	shalt  }
0x5f: {  	_ =	shalt  }
0x60: {  	_ =	shalt  }
0x61: {  	_ =	shalt  }
0x62: {  	_ =	shalt  }
0x63: {  	_ =	shalt  }
0x64: {  	_ =	shalt  }
0x65: {  	_ =	shalt  }
0x66: {  	_ =	shalt  }
0x67: {  	_ =	shalt  }
0x68: {  	_ =	shalt  }
0x69: {  	_ =	shalt  }
0x6a: {  	_ =	shalt  }
0x6b: {  	_ =	shalt  }
0x6c: {  	_ =	shalt  }
0x6d: {  	_ =	shalt  }
0x6e: {  	_ =	shalt  }
0x6f: {  	_ =	shalt  }
0x70: {  	_ =	shalt  }
0x71: {  	_ =	shalt  }
0x72: {  	_ =	shalt  }
0x73: {  	_ =	shalt  }
0x74: {  	_ =	shalt  }
0x75: {  	_ =	shalt  }
0x76: {  	_ =	shalt  }
0x77: {  	_ =	shalt  }
0x78: {  	_ =	shalt  }
0x79: {  	_ =	shalt  }
0x7a: {  	_ =	shalt  }
0x7b: {  	_ =	shalt  }
0x7c: {  	_ =	shalt  }
0x7d: {  	_ =	shalt  }
0x7e: {  	_ =	shalt  }
0x7f: {  	_ =	shalt  }
0x80: {  	_ =	shalt  }
0x81: {  	_ =	shalt  }
0x82: {  	_ =	shalt  }
0x83: {  	_ =	shalt  }
0x84: {  	_ =	shalt  }
0x85: {  	_ =	shalt  }
0x86: {  	_ =	shalt  }
0x87: {  	_ =	shalt  }
.Lfunc_end0:
.L_simem_size_0:
called_computation.2_lowered:
.L_overlay_start_0:
0x88: {  	s2 =	sld [smem:$0x3FD9]  }
0x89: {  	s3 =	sld [smem:$0x3FFE];
	_ =	sdelay $0x1  }
0x8a: {  	s1 =	srdreg.scid  }
0x8b: {  	s0 =	sand.u32 $0x1, s1  }
0x8c: {  	s17 =	sshll.u32 s0, $0xA;
	s2 =	sadd.s32 s3, s2  }
0x8d: {  	s2 =	sadd.s32 s2, s17  }
0x8e: {  	[smem:$0x3FC2] =	sst s2  }
0x8f: {  	_ = 	snop  }
0x90: {  	s18 =	sld [smem:$0x3FC8];
	(tm) =	ssettm $0x1  }
0x91: {  	s19 =	sld [smem:$0x3FFB];
	_ =	sdelay $0x3  }
0x92: {  	_ =	strace s19  }
0x93: {  	s2 =	sld [smem:$0x3FFC];
	_ =	sdelay $0x3  }
0x94: {  	_ =	strace s2  }
0x95: {  	s2 =	sld [smem:$0x3FFD];
	_ =	sdelay $0x3  }
0x96: {  	_ =	strace s2  }
0x97: {  	_ =	strace $0x8FFFFFFF  }
0x98: {  	s20 =	sld [smem:$0x3FDB];
	_ =	sdelay $0x1  }
0x99: {  	s4 =	simm.s32 $_scs_section_size  }
0x9a: {  	s5 =	simm.s32 $_size__tile_overlayer_lowered;
	s6 =	simm.s32 $_tile_overlayer_lowered  }
0x9b: {  	s7 =	simm.s32 $0x1BFF;
	s21 =	sshll.u32 s6, $0x1;
	s4 =	sadd.s32 s4, s20  }
0x9c: {  	s22 =	simm.s32 $0x0;
	s5 =	sshll.u32 s5, $0x1;
	s6 =	sadd.s32 s21, s4  }
0x9d: {  	[timem:s22], [sflag:s7] =	dma.local [hbm:s6], s5  }
0x9e: {  	_ =	swait.ge [sflag:s7], s5  }
0x9f: {  	s5 =	ssub.s32 $0x0, s5;
	[sflag:s7] =	ssyncset.done $0x0  }
0xa0: {  	[sflag:s7] =	ssyncadd.s32 s5;
	_ =	sdelay $0x1  }
0xa1: {  	s23 =	simm.s32 $0x1B8B  }
0xa2: {  	_ =	swait.ge [sflag:s23], $0x1  }
0xa3: {  	[sflag:s23] =	ssyncset.done $0x0  }
0xa4: {  	[sflag:s23] =	ssyncadd.s32 $0xFFFFFFFF  }
0xa5: {  	s5 =	sld [smem:$0x0]  }
0xa6: {  	s6 =	sand.u32 $0xFFFFFFFE, s1  }
0xa7: {  	p0 =	sne.s32 s1, s6  }
0xa8: {  	s6 =	sshll.u32 @p0 s6, $0xE  }
0xa9: {  	s6 =	sadd.s32 @p0 $0x11B8D, s6;
	s7 =	sshll.u32 @p0 s5, $0x11  }
0xaa: {  	s6 =	sor.u32 @p0 s7, s6  }
0xab: {  	[sflag:s6] =	ssyncadd.remote.s32 @p0 $0x1;
	_ =	sdelay $0x1  }
0xac: {  	s6 =	simm.s32 @p0 $0x1B8D  }
0xad: {  	_ =	swait.eq @p0 [sflag:s6], $0x1  }
0xae: {  	[sflag:s6] =	ssyncadd.s32 @p0 $0xFFFFFFFF  }
0xaf: {  	s7 =	sshll.u32 @!p0 s1, $0xE  }
0xb0: {  	s7 =	sor.u32 @!p0 $0x4000, s7;
	s6 =	simm.s32 @!p0 $0x1B8D  }
0xb1: {  	s5 =	sshll.u32 @!p0 s5, $0x11;
	s7 =	sadd.s32 @!p0 $0x11B8D, s7;
	_ =	swait.eq @!p0 [sflag:s6], $0x1  }
0xb2: {  	s5 =	sor.u32 @!p0 s5, s7;
	[sflag:s6] =	ssyncadd.s32 @!p0 $0xFFFFFFFF  }
0xb3: {  	s25 =	simm.s32 $0x1B8E;
	s24 =	sld [smem:$0x3FFE];
	[sflag:s5] =	ssyncadd.remote.s32 @!p0 $0x1  }
0xb4: {  	s26 =	simm.s32 $execute0_lowered;
	[smem:$0x3FD2] =	sst s25  }
0xb5: {  	s6 =	sshll.u32 s26, $0x1;
	_ =	strace $0x8000004C;
	[dreg:$0x1] =	wrdreg $0xFFFFFFFF  }
0xb6: {  	s28 =	simm.s32 $_size_execute0_lowered;
	s4 =	sadd.s32 s4, s6;
	[dreg:$0x0] =	wrdreg $0x0  }
0xb7: {  	s6 =	sshll.u32 s28, $0x1;
	[dreg:$0x2] =	wrdreg s4  }
0xb8: {  	[dreg:$0x3] =	wrdreg s6  }
0xb9: {  	[dreg:$0x4] =	wrdreg $0xC0  }
0xba: {  	_ =	task [dreg:s22], $0x5FFFF  }
0xbb: {  	[dreg:$0x1] =	wrdreg $0xFFFFFFFF  }
0xbc: {  	[dreg:$0x0] =	wrdreg $0x60  }
0xbd: {  	[dreg:$0x2] =	wrdreg s24  }
0xbe: {  	[dreg:$0x3] =	wrdreg s18  }
0xbf: {  	[dreg:$0x4] =	wrdreg $0xB  }
0xc0: {  	_ =	task.clear_ibuf [dreg:s22], $0x5FFFF;
	_ =	strace $0x9000004C  }
0xc1: {  	s29 =	simm.s32 $0xB;
	_ =	strace $0x8000004E  }
0xc2: {  	_ =	swait.ge [sflag:s29], $0x1  }
0xc3: {  	[sflag:s29] =	ssyncadd.s32 $0xFFFFFFFF  }
0xc4: {  	_ =	strace $0x9000004E  }
0xc5: {  	_ =	sfence  }
0xc6: {  	s30 =	sld [smem:$0x0];
	_ =	sdelay $0x2  }
0xc7: {  	s31 =	sshll.u32 s1, $0xD;
	s1 =	sshrl.u32 s1, $0x2  }
0xc8: {  	s4 =	sand.u32 $0x4000, s31;
	s1 =	sadd.s32 s1, s30  }
0xc9: {  	s0 =	sor.u32 s4, s0;
	s1 =	sshll.u32 s1, $0x11  }
0xca: {  	s0 =	sor.u32 s1, s0  }
0xcb: {  	s0 =	sadd.s32 $0x8F2B, s0  }
0xcc: {  	[sflag:s0] =	ssyncadd.remote.s32 $0x1  }
0xcd: {  	_ =	sfence.sel $0xFFFF  }
0xce: {  	[dreg:$0x0] =	wrdreg $0xFFFFFFFF;
	(pc) =	sbr.abs _section_cstart, $3  }
0xcf: {  	[dreg:$0x1] =	wrdreg $0xFFFFFFFF  }
0xd0: {  	_ =	task.clear_ibuf [dreg:s22], $0x2FFFF;
	_ =	strace $0x9FFFFFFF  }
0xd1: {  	(tm) =	ssettm $0x7FFFFFFF  }
tec
execute0_lowered:
.L_overlay_start_1:
0x0: {  	(tag) =	ssettag $0x1  }
0x1: {  	s0 =	srdreg.scid;
	s5 =	stileid.u32  }
0x2: {  	s0 =	sand.u32 $0x1, s0;
	s1 =	smul.u32 $0x500, s5  }
0x3: {  	s4 =	rddreg [dreg:$0x0];
	s3 =	simm.s32 $0x0;
	s2 =	smul.u32 $0x280, s0  }
0x4: {  	[smem:$0x7FF] =	sst s3  }
0x5: {  	s19 =	simm.s32 $0xA80;
	s1 =	sadd.s32 s2, s1;
	s2 =	rddreg [dreg:$0x1]  }
0x6: {  	s20 =	simm.s32 $0x1280;
	_ =	strace $0x8000004D;
	[dreg:$0x4] =	wrdreg s19  }
0x7: {  	s21 =	simm.s32 $0x1A80;
	[dreg:$0x5] =	wrdreg s20  }
0x8: {  	s22 =	simm.s32 $0x2280;
	[dreg:$0x6] =	wrdreg s21  }
0x9: {  	s23 =	simm.s32 $0x2A80;
	[dreg:$0x7] =	wrdreg s22  }
0xa: {  	s24 =	simm.s32 $0x3280;
	[dreg:$0x8] =	wrdreg s23  }
0xb: {  	s25 =	simm.s32 $0x3A80;
	[dreg:$0x9] =	wrdreg s24  }
0xc: {  	s26 =	simm.s32 $0x4280;
	[dreg:$0xa] =	wrdreg s25  }
0xd: {  	s6 =	simm.s32 $0x4A80;
	[dreg:$0xb] =	wrdreg s26  }
0xe: {  	s7 =	simm.s32 $0x5280;
	[dreg:$0xc] =	wrdreg s6  }
0xf: {  	s8 =	simm.s32 $0x5A80;
	[dreg:$0xd] =	wrdreg s7  }
0x10: {  	s9 =	simm.s32 $0x6280;
	[dreg:$0xe] =	wrdreg s8  }
0x11: {  	s10 =	simm.s32 $0x6A80;
	[dreg:$0xf] =	wrdreg s9  }
0x12: {  	s11 =	simm.s32 $0x7280;
	[dreg:$0x10] =	wrdreg s10  }
0x13: {  	s12 =	simm.s32 $0x7A80;
	[dreg:$0x11] =	wrdreg s11  }
0x14: {  	s13 =	simm.s32 $0x8280;
	s14 =	simm.s32 $0x8A80;
	[dreg:$0x12] =	wrdreg s12  }
0x15: {  	s15 =	simm.s32 $0x9280;
	s16 =	simm.s32 $0x9A80;
	[dreg:$0x13] =	wrdreg s13  }
0x16: {  	s17 =	simm.s32 $0xA280;
	s18 =	simm.s32 $0xAA80;
	[dreg:$0x14] =	wrdreg s14  }
0x17: {  	s28 =	simm.s32 $0x17280;
	s29 =	simm.s32 $0x17A80;
	[dreg:$0x15] =	wrdreg s15  }
0x18: {  	s30 =	simm.s32 $0x1;
	s5 =	sshll.u32 s5, $0x1;
	[dreg:$0x16] =	wrdreg s16  }
0x19: {  	s31 =	simm.s32 $0x0;
	s5 =	sor.u32 s0, s5;
	[dreg:$0x17] =	wrdreg s17  }
0x1a: {  	s0 =	ssub.s32 $0x2, s0;
	s5 =	smul.u32 $0x280, s5;
	[dreg:$0x18] =	wrdreg s18  }
0x1b: {  	s19 =	simm.s32 $0xB280;
	s20 =	sshrl.u32 s0, $0x1;
	s21 =	simm.s32 $0xBA80  }
0x1c: {  	s22 =	simm.s32 $0xC280;
	s23 =	simm.s32 $0xCA80;
	s24 =	simm.s32 $0xD280  }
0x1d: {  	s25 =	simm.s32 $0xDA80;
	s26 =	simm.s32 $0xE280;
	s8 =	simm.s32 $0x2  }
0x1e: {  	s9 =	simm.s32 $0x280;
	s10 =	simm.s32 $0xEA80;
	[dreg:$0x19] =	wrdreg s19  }
0x1f: {  	s11 =	simm.s32 $0xF280;
	s12 =	simm.s32 $0xFA80;
	[dreg:$0x1a] =	wrdreg s21  }
0x20: {  	s13 =	simm.s32 $0x10280;
	s14 =	simm.s32 $0x10A80;
	[dreg:$0x1b] =	wrdreg s22  }
0x21: {  	s15 =	simm.s32 $0x11280;
	s16 =	simm.s32 $0x11A80;
	[dreg:$0x1c] =	wrdreg s23  }
0x22: {  	s17 =	simm.s32 $0x12280;
	s18 =	simm.s32 $0x12A80;
	[dreg:$0x1d] =	wrdreg s24  }
0x23: {  	s1 =	sshrl.u32 s1, $0x3;
	s5 =	sshrl.u32 s5, $0x3;
	[dreg:$0x1e] =	wrdreg s25  }
0x24: {  	s0 =	ssub.s32 s0, s20;
	s6 =	sadd.s32 $0x200, s2;
	[dreg:$0x1f] =	wrdreg s26  }
0x25: {  	s19 =	simm.s32 $0x13280;
	s20 =	simm.s32 $0x13A80;
	s1 =	smul.u32 $0x300, s1  }
0x26: {  	s21 =	simm.s32 $0x14280;
	s22 =	simm.s32 $0x14A80;
	s23 =	simm.s32 $0x15280  }
0x27: {  	s24 =	simm.s32 $0x15A80;
	s0 =	smax.u32 s0, $0x1;
	s1 =	sadd.s32 s1, s4  }
0x28: {  	v2 =	vlaneseq.u32;
	[smem:$0x7FD] =	sst s0;
	s4 =	sadd.s32 s5, s4;
	s1 =	sadd.s32 $0x244000, s1  }
0x29: {  	vm0 =	vmmov $0xffff;
	v1 =	vshrl.u32 v2, $0x3;
	s25 =	simm.s32 $0x16280;
	s4 =	sadd.s32 $0x243600, s4;
	[dreg:$0x3] =	wrdreg s1  }
0x2a: {  	v0 =	vand.u32 $0x7, v2;
	v2 =	vor.u32 $0x8, v2;
	v1 =	vmul.u32 $0x8, v1;
	s26 =	simm.s32 $0x16A80;
	s5 =	sadd.s32 $0x100, s2;
	[smem:$0x7FC] =	sst s4  }
.LBB2_1:
0x2b: {  	s0 =	sld [smem:$0x7FC];
	_ =	sdelay $0x2  }
0x2c: {  	[tilespmem:s3], [sflag:$0x2] =	stream.linear.gather [hbm4b:s0+s3], $0x280, $0x38;
	[tilespmem:$0x18280] =	vst v63  }
0x2d: {  	_ =	swait.ge [sflag:s8], $0x280  }
0x2e: {  	[sflag:s8] =	ssyncset.done $0x0  }
0x2f: {  	s1 =	simm.s32 $0x40;
	s0 =	simm.s32 $0x0;
	[sflag:s8] =	ssyncadd.s32 $0xFFFFFD80  }
.LBB2_2:
0x30: {  	v3 =	vld [tilespmem:s1+$0xFFFFFFC0];
	_ =	sdelay $0x4  }
0x31: {  	v4 =	vshrl.u32 v3, $0x3  }
0x32: {  	v4 =	vmul.u32 $0x30, v4  }
0x33: {  	v3 =	vand.u32 $0x7, v3  }
0x34: {  	v3 =	vor.u32 v3, v4  }
0x35: {  	v4 =	vperm.xlane v3, v0;
	_ =	sdelay $0x1  }
0x36: {  	v4 =	vadd.s32 v1, v4;
	_ =	sdelay $0x3  }
0x37: {  	v3 =	vperm.xlane v3, v2  }
0x38: {  	[tilespmem:s9], [sflag:$0x1] =	stream.indirect_vreg.gather [hbm4b:s2+s3], $0x80, v4, vm0, $0xb8;
	[tilespmem:$0x18280] =	vst v63  }
0x39: {  	s4 =	rddreg [dreg:$0x4];
	v3 =	vadd.s32 v1, v3  }
0x3a: {  	[tilespmem:s4], [sflag:$0x1] =	stream.indirect_vreg.gather [hbm4b:s5+s3], $0x80, v4, vm0, $0xb8;
	[tilespmem:$0x18280] =	vst v63  }
0x3b: {  	s7 =	rddreg [dreg:$0x5]  }
0x3c: {  	[tilespmem:s7], [sflag:$0x1] =	stream.indirect_vreg.gather [hbm4b:s6+s3], $0x80, v4, vm0, $0xb8;
	[tilespmem:$0x18280] =	vst v63  }
0x3d: {  	s4 =	rddreg [dreg:$0x6]  }
0x3e: {  	[tilespmem:s4], [sflag:$0x1] =	stream.indirect_vreg.gather [hbm4b:s2+s3], $0x80, v3, vm0, $0xb8;
	[tilespmem:$0x18280] =	vst v63  }
0x3f: {  	s7 =	rddreg [dreg:$0x7]  }
0x40: {  	[tilespmem:s7], [sflag:$0x1] =	stream.indirect_vreg.gather [hbm4b:s5+s3], $0x80, v3, vm0, $0xb8;
	[tilespmem:$0x18280] =	vst v63  }
0x41: {  	s4 =	rddreg [dreg:$0x8]  }
0x42: {  	[tilespmem:s4], [sflag:$0x1] =	stream.indirect_vreg.gather [hbm4b:s6+s3], $0x80, v3, vm0, $0xb8;
	[tilespmem:$0x18280] =	vst v63  }
0x43: {  	v3 =	vld [tilespmem:s1+$0xFFFFFFD0];
	_ =	sdelay $0x4  }
0x44: {  	v57 =	vshrl.u32 v3, $0x3  }
0x45: {  	v4 =	vmul.u32 $0x30, v57  }
0x46: {  	v3 =	vand.u32 $0x7, v3  }
0x47: {  	v3 =	vor.u32 v3, v4  }
0x48: {  	v4 =	vperm.xlane v3, v0;
	_ =	sdelay $0x1  }
0x49: {  	v4 =	vadd.s32 v1, v4;
	_ =	sdelay $0x3  }
0x4a: {  	s4 =	rddreg [dreg:$0x9];
	v3 =	vperm.xlane v3, v2  }
0x4b: {  	[tilespmem:s4], [sflag:$0x1] =	stream.indirect_vreg.gather [hbm4b:s2+s3], $0x80, v4, vm0, $0xb8;
	[tilespmem:$0x18280] =	vst v63  }
0x4c: {  	s7 =	rddreg [dreg:$0xa];
	v3 =	vadd.s32 v1, v3  }
0x4d: {  	[tilespmem:s7], [sflag:$0x1] =	stream.indirect_vreg.gather [hbm4b:s5+s3], $0x80, v4, vm0, $0xb8;
	[tilespmem:$0x18280] =	vst v63  }
0x4e: {  	s4 =	rddreg [dreg:$0xb]  }
0x4f: {  	[tilespmem:s4], [sflag:$0x1] =	stream.indirect_vreg.gather [hbm4b:s6+s3], $0x80, v4, vm0, $0xb8;
	[tilespmem:$0x18280] =	vst v63  }
0x50: {  	s7 =	rddreg [dreg:$0xc]  }
0x51: {  	[tilespmem:s7], [sflag:$0x1] =	stream.indirect_vreg.gather [hbm4b:s2+s3], $0x80, v3, vm0, $0xb8;
	[tilespmem:$0x18280] =	vst v63  }
0x52: {  	s4 =	rddreg [dreg:$0xd]  }
0x53: {  	[tilespmem:s4], [sflag:$0x1] =	stream.indirect_vreg.gather [hbm4b:s5+s3], $0x80, v3, vm0, $0xb8;
	[tilespmem:$0x18280] =	vst v63  }
0x54: {  	s7 =	rddreg [dreg:$0xe]  }
0x55: {  	[tilespmem:s7], [sflag:$0x1] =	stream.indirect_vreg.gather [hbm4b:s6+s3], $0x80, v3, vm0, $0xb8;
	[tilespmem:$0x18280] =	vst v63  }
0x56: {  	v3 =	vld [tilespmem:s1+$0xFFFFFFE0];
	_ =	sdelay $0x4  }
0x57: {  	v58 =	vshrl.u32 v3, $0x3  }
0x58: {  	v4 =	vmul.u32 $0x30, v58  }
0x59: {  	v3 =	vand.u32 $0x7, v3  }
0x5a: {  	v3 =	vor.u32 v3, v4  }
0x5b: {  	v4 =	vperm.xlane v3, v0;
	_ =	sdelay $0x1  }
0x5c: {  	v4 =	vadd.s32 v1, v4;
	_ =	sdelay $0x3  }
0x5d: {  	s4 =	rddreg [dreg:$0xf];
	v3 =	vperm.xlane v3, v2  }
0x5e: {  	[tilespmem:s4], [sflag:$0x1] =	stream.indirect_vreg.gather [hbm4b:s2+s3], $0x80, v4, vm0, $0xb8;
	[tilespmem:$0x18280] =	vst v63  }
0x5f: {  	s7 =	rddreg [dreg:$0x10];
	v3 =	vadd.s32 v1, v3  }
0x60: {  	[tilespmem:s7], [sflag:$0x1] =	stream.indirect_vreg.gather [hbm4b:s5+s3], $0x80, v4, vm0, $0xb8;
	[tilespmem:$0x18280] =	vst v63  }
0x61: {  	s4 =	rddreg [dreg:$0x11]  }
0x62: {  	[tilespmem:s4], [sflag:$0x1] =	stream.indirect_vreg.gather [hbm4b:s6+s3], $0x80, v4, vm0, $0xb8;
	[tilespmem:$0x18280] =	vst v63  }
0x63: {  	s7 =	rddreg [dreg:$0x12]  }
0x64: {  	[tilespmem:s7], [sflag:$0x1] =	stream.indirect_vreg.gather [hbm4b:s2+s3], $0x80, v3, vm0, $0xb8;
	[tilespmem:$0x18280] =	vst v63  }
0x65: {  	s4 =	rddreg [dreg:$0x13]  }
0x66: {  	[tilespmem:s4], [sflag:$0x1] =	stream.indirect_vreg.gather [hbm4b:s5+s3], $0x80, v3, vm0, $0xb8;
	[tilespmem:$0x18280] =	vst v63  }
0x67: {  	s7 =	rddreg [dreg:$0x14]  }
0x68: {  	[tilespmem:s7], [sflag:$0x1] =	stream.indirect_vreg.gather [hbm4b:s6+s3], $0x80, v3, vm0, $0xb8;
	[tilespmem:$0x18280] =	vst v63  }
0x69: {  	v3 =	vld [tilespmem:s1+$0xFFFFFFF0];
	_ =	sdelay $0x4  }
0x6a: {  	v59 =	vshrl.u32 v3, $0x3  }
0x6b: {  	v4 =	vmul.u32 $0x30, v59  }
0x6c: {  	v3 =	vand.u32 $0x7, v3  }
0x6d: {  	v3 =	vor.u32 v3, v4  }
0x6e: {  	v4 =	vperm.xlane v3, v0;
	_ =	sdelay $0x1  }
0x6f: {  	v4 =	vadd.s32 v1, v4;
	_ =	sdelay $0x3  }
0x70: {  	s4 =	rddreg [dreg:$0x15];
	v3 =	vperm.xlane v3, v2  }
0x71: {  	[tilespmem:s4], [sflag:$0x1] =	stream.indirect_vreg.gather [hbm4b:s2+s3], $0x80, v4, vm0, $0xb8;
	[tilespmem:$0x18280] =	vst v63  }
0x72: {  	s7 =	rddreg [dreg:$0x16];
	v3 =	vadd.s32 v1, v3  }
0x73: {  	[tilespmem:s7], [sflag:$0x1] =	stream.indirect_vreg.gather [hbm4b:s5+s3], $0x80, v4, vm0, $0xb8;
	[tilespmem:$0x18280] =	vst v63  }
0x74: {  	s4 =	rddreg [dreg:$0x17]  }
0x75: {  	[tilespmem:s4], [sflag:$0x1] =	stream.indirect_vreg.gather [hbm4b:s6+s3], $0x80, v4, vm0, $0xb8;
	[tilespmem:$0x18280] =	vst v63  }
0x76: {  	s7 =	rddreg [dreg:$0x18]  }
0x77: {  	[tilespmem:s7], [sflag:$0x1] =	stream.indirect_vreg.gather [hbm4b:s2+s3], $0x80, v3, vm0, $0xb8;
	[tilespmem:$0x18280] =	vst v63  }
0x78: {  	s4 =	rddreg [dreg:$0x19]  }
0x79: {  	[tilespmem:s4], [sflag:$0x1] =	stream.indirect_vreg.gather [hbm4b:s5+s3], $0x80, v3, vm0, $0xb8;
	[tilespmem:$0x18280] =	vst v63  }
0x7a: {  	s7 =	rddreg [dreg:$0x1a]  }
0x7b: {  	[tilespmem:s7], [sflag:$0x1] =	stream.indirect_vreg.gather [hbm4b:s6+s3], $0x80, v3, vm0, $0xb8;
	[tilespmem:$0x18280] =	vst v63  }
0x7c: {  	v3 =	vld [tilespmem:s1+$0x0];
	_ =	sdelay $0x4  }
0x7d: {  	v60 =	vshrl.u32 v3, $0x3  }
0x7e: {  	v4 =	vmul.u32 $0x30, v60  }
0x7f: {  	v3 =	vand.u32 $0x7, v3  }
0x80: {  	v3 =	vor.u32 v3, v4  }
0x81: {  	v4 =	vperm.xlane v3, v0;
	_ =	sdelay $0x1  }
0x82: {  	v4 =	vadd.s32 v1, v4;
	_ =	sdelay $0x3  }
0x83: {  	s4 =	rddreg [dreg:$0x1b];
	v3 =	vperm.xlane v3, v2  }
0x84: {  	[tilespmem:s4], [sflag:$0x1] =	stream.indirect_vreg.gather [hbm4b:s2+s3], $0x80, v4, vm0, $0xb8;
	[tilespmem:$0x18280] =	vst v63  }
0x85: {  	s7 =	rddreg [dreg:$0x1c];
	v3 =	vadd.s32 v1, v3  }
0x86: {  	[tilespmem:s7], [sflag:$0x1] =	stream.indirect_vreg.gather [hbm4b:s5+s3], $0x80, v4, vm0, $0xb8;
	[tilespmem:$0x18280] =	vst v63  }
0x87: {  	s4 =	rddreg [dreg:$0x1d]  }
0x88: {  	[tilespmem:s4], [sflag:$0x1] =	stream.indirect_vreg.gather [hbm4b:s6+s3], $0x80, v4, vm0, $0xb8;
	[tilespmem:$0x18280] =	vst v63  }
0x89: {  	s7 =	rddreg [dreg:$0x1e]  }
0x8a: {  	[tilespmem:s7], [sflag:$0x1] =	stream.indirect_vreg.gather [hbm4b:s2+s3], $0x80, v3, vm0, $0xb8;
	[tilespmem:$0x18280] =	vst v63  }
0x8b: {  	s4 =	rddreg [dreg:$0x1f]  }
0x8c: {  	[tilespmem:s4], [sflag:$0x1] =	stream.indirect_vreg.gather [hbm4b:s5+s3], $0x80, v3, vm0, $0xb8;
	[tilespmem:$0x18280] =	vst v63  }
0x8d: {  	_ = 	snop  }
0x8e: {  	[tilespmem:s10], [sflag:$0x1] =	stream.indirect_vreg.gather [hbm4b:s6+s3], $0x80, v3, vm0, $0xb8;
	[tilespmem:$0x18280] =	vst v63  }
0x8f: {  	v3 =	vld [tilespmem:s1+$0x10];
	_ =	sdelay $0x4  }
0x90: {  	v61 =	vshrl.u32 v3, $0x3  }
0x91: {  	v4 =	vmul.u32 $0x30, v61  }
0x92: {  	v3 =	vand.u32 $0x7, v3  }
0x93: {  	v3 =	vor.u32 v3, v4  }
0x94: {  	v4 =	vperm.xlane v3, v0;
	_ =	sdelay $0x1  }
0x95: {  	v4 =	vadd.s32 v1, v4;
	_ =	sdelay $0x3  }
0x96: {  	v3 =	vperm.xlane v3, v2  }
0x97: {  	[tilespmem:s11], [sflag:$0x1] =	stream.indirect_vreg.gather [hbm4b:s2+s3], $0x80, v4, vm0, $0xb8;
	[tilespmem:$0x18280] =	vst v63  }
0x98: {  	v3 =	vadd.s32 v1, v3  }
0x99: {  	[tilespmem:s12], [sflag:$0x1] =	stream.indirect_vreg.gather [hbm4b:s5+s3], $0x80, v4, vm0, $0xb8;
	[tilespmem:$0x18280] =	vst v63  }
0x9a: {  	_ = 	snop  }
0x9b: {  	[tilespmem:s13], [sflag:$0x1] =	stream.indirect_vreg.gather [hbm4b:s6+s3], $0x80, v4, vm0, $0xb8;
	[tilespmem:$0x18280] =	vst v63  }
0x9c: {  	_ = 	snop  }
0x9d: {  	[tilespmem:s14], [sflag:$0x1] =	stream.indirect_vreg.gather [hbm4b:s2+s3], $0x80, v3, vm0, $0xb8;
	[tilespmem:$0x18280] =	vst v63  }
0x9e: {  	_ = 	snop  }
0x9f: {  	[tilespmem:s15], [sflag:$0x1] =	stream.indirect_vreg.gather [hbm4b:s5+s3], $0x80, v3, vm0, $0xb8;
	[tilespmem:$0x18280] =	vst v63  }
0xa0: {  	_ = 	snop  }
0xa1: {  	[tilespmem:s16], [sflag:$0x1] =	stream.indirect_vreg.gather [hbm4b:s6+s3], $0x80, v3, vm0, $0xb8;
	[tilespmem:$0x18280] =	vst v63  }
0xa2: {  	v3 =	vld [tilespmem:s1+$0x20];
	_ =	sdelay $0x4  }
0xa3: {  	v62 =	vshrl.u32 v3, $0x3  }
0xa4: {  	v4 =	vmul.u32 $0x30, v62  }
0xa5: {  	v3 =	vand.u32 $0x7, v3  }
0xa6: {  	v3 =	vor.u32 v3, v4  }
0xa7: {  	v4 =	vperm.xlane v3, v0;
	_ =	sdelay $0x1  }
0xa8: {  	v4 =	vadd.s32 v1, v4;
	_ =	sdelay $0x3  }
0xa9: {  	v3 =	vperm.xlane v3, v2  }
0xaa: {  	[tilespmem:s17], [sflag:$0x1] =	stream.indirect_vreg.gather [hbm4b:s2+s3], $0x80, v4, vm0, $0xb8;
	[tilespmem:$0x18280] =	vst v63  }
0xab: {  	v3 =	vadd.s32 v1, v3  }
0xac: {  	[tilespmem:s18], [sflag:$0x1] =	stream.indirect_vreg.gather [hbm4b:s5+s3], $0x80, v4, vm0, $0xb8;
	[tilespmem:$0x18280] =	vst v63  }
0xad: {  	_ = 	snop  }
0xae: {  	[tilespmem:s19], [sflag:$0x1] =	stream.indirect_vreg.gather [hbm4b:s6+s3], $0x80, v4, vm0, $0xb8;
	[tilespmem:$0x18280] =	vst v63  }
0xaf: {  	_ = 	snop  }
0xb0: {  	[tilespmem:s20], [sflag:$0x1] =	stream.indirect_vreg.gather [hbm4b:s2+s3], $0x80, v3, vm0, $0xb8;
	[tilespmem:$0x18280] =	vst v63  }
0xb1: {  	_ = 	snop  }
0xb2: {  	[tilespmem:s21], [sflag:$0x1] =	stream.indirect_vreg.gather [hbm4b:s5+s3], $0x80, v3, vm0, $0xb8;
	[tilespmem:$0x18280] =	vst v63  }
0xb3: {  	_ = 	snop  }
0xb4: {  	[tilespmem:s22], [sflag:$0x1] =	stream.indirect_vreg.gather [hbm4b:s6+s3], $0x80, v3, vm0, $0xb8;
	[tilespmem:$0x18280] =	vst v63  }
0xb5: {  	v3 =	vld [tilespmem:s1+$0x30];
	_ =	sdelay $0x4  }
0xb6: {  	v63 =	vshrl.u32 v3, $0x3  }
0xb7: {  	v4 =	vmul.u32 $0x30, v63  }
0xb8: {  	v3 =	vand.u32 $0x7, v3  }
0xb9: {  	v3 =	vor.u32 v3, v4  }
0xba: {  	v4 =	vperm.xlane v3, v0;
	_ =	sdelay $0x1  }
0xbb: {  	v4 =	vadd.s32 v1, v4;
	_ =	sdelay $0x3  }
0xbc: {  	v3 =	vperm.xlane v3, v2  }
0xbd: {  	[tilespmem:s23], [sflag:$0x1] =	stream.indirect_vreg.gather [hbm4b:s2+s3], $0x80, v4, vm0, $0xb8;
	[tilespmem:$0x18280] =	vst v63  }
0xbe: {  	v3 =	vadd.s32 v1, v3  }
0xbf: {  	[tilespmem:s24], [sflag:$0x1] =	stream.indirect_vreg.gather [hbm4b:s5+s3], $0x80, v4, vm0, $0xb8;
	[tilespmem:$0x18280] =	vst v63  }
0xc0: {  	_ = 	snop  }
0xc1: {  	[tilespmem:s25], [sflag:$0x1] =	stream.indirect_vreg.gather [hbm4b:s6+s3], $0x80, v4, vm0, $0xb8;
	[tilespmem:$0x18280] =	vst v63  }
0xc2: {  	_ = 	snop  }
0xc3: {  	[tilespmem:s26], [sflag:$0x1] =	stream.indirect_vreg.gather [hbm4b:s2+s3], $0x80, v3, vm0, $0xb8;
	[tilespmem:$0x18280] =	vst v63  }
0xc4: {  	_ = 	snop  }
0xc5: {  	[tilespmem:s28], [sflag:$0x1] =	stream.indirect_vreg.gather [hbm4b:s5+s3], $0x80, v3, vm0, $0xb8;
	[tilespmem:$0x18280] =	vst v63  }
0xc6: {  	_ = 	snop  }
0xc7: {  	[tilespmem:s29], [sflag:$0x1] =	stream.indirect_vreg.gather [hbm4b:s6+s3], $0x80, v3, vm0, $0xb8;
	[tilespmem:$0x18280] =	vst v63  }
0xc8: {  	_ =	swait.ge [sflag:s30], $0x18000  }
0xc9: {  	p0 =	sne.s32 s0, $0xC000;
	s7 =	rddreg [dreg:$0x3];
	[sflag:s30] =	ssyncset.done $0x0  }
.Ltmp0:
0xca: {  	[sflag:s30] =	ssyncadd.s32 $0xFFFE8000;
	s4 =	sadd.s32 s0, s7;
	(pc) =	sbr.rel @p0 .LBB2_2-.Ltmp0, $4  }
0xcb: {  	[hbm4b:s4+s3] =	stream.linear.scatter [tilespmem:s9], [sflag:$0x2], $0x18000, $0x38;
	[tilespmem:$0x18280] =	vst v63  }
0xcc: {  	_ =	swait.ge [sflag:s8], $0x18000  }
0xcd: {  	[sflag:s8] =	ssyncset.done $0x0  }
0xce: {  	s1 =	sadd.s32 $0x80, s1;
	s0 =	sadd.s32 $0x3000, s0;
	[sflag:s8] =	ssyncadd.s32 $0xFFFE8000  }
0xcf: {  	s0 =	sld [smem:$0x7FD];
	_ =	sdelay $0x1  }
0xd0: {  	s31 =	sadd.s32 $0x1, s31  }
0xd1: {  	p0 =	sne.s32 s31, s0  }
.Ltmp1:
0xd2: {  	_ = 	snop;
	(pc) =	sbr.rel @p0 .LBB2_1-.Ltmp1, $1  }
0xd3: {  	_ =	sdelay $0x3  }
0xd4: {  	_ =	sfence.sel $0x180000  }
0xd5: {  	[bflag:$0x0] =	sbarrier.arrive $0xFFFF  }
0xd6: {  	_ =	strace $0x9000004D  }
0xd7: {  	s0 =	stileid.u32;
	[bflag:$0x2] =	sbarrier.arrive $0xFFFF  }
0xd8: {  	p0 =	sne.s32 s0, $0x0;
	s0 =	rddreg [dreg:$0x2]  }
0xd9: {  	s0 =	sadd.s32 @!p0 $0x100000, s0  }
0xda: {  	[sflag:s0] =	ssyncadd.tile.s32 @!p0 $0x1;
	_ =	shalt  }
.Lfunc_end2:
_tile_overlayer_lowered:
.L_overlay_start_2:
0xdb: {  	(tag) =	ssettag $0x2  }
0xdc: {  	s0 =	rddreg [dreg:$0x0];
	s2 =	stileid.u32  }
0xdd: {  	s1 =	rddreg [dreg:$0x1];
	p0 =	sne.s32 s2, $0x0  }
0xde: {  	s3 =	rddreg [dreg:$0x2];
	[bflag:$0x3] =	sbarrier.arrive $0xFFFF;
	s2 =	simm.s32 @!p0 $0x1C02  }
0xdf: {  	[timem:s3], [sflag:s2] =	dma.local @!p0 [hbm:s0], s1  }
0xe0: {  	s0 =	simm.s32 @!p0 $0x2  }
0xe1: {  	_ =	swait.ge @!p0 [sflag:s0], s1  }
0xe2: {  	s1 =	ssub.s32 @!p0 $0x0, s1;
	[sflag:s0] =	ssyncset.done @!p0 $0x0  }
0xe3: {  	[sflag:s0] =	ssyncadd.s32 @!p0 s1  }
0xe4: {  	[bflag:$0x3] =	sbarrier.arrive $0xFFFF  }
0xe5: {  	_ =	shalt  }

// kernel: kernel.19.cloned.1.call-start
scs
__scs_entry_jumppad:
0x0: {  	(pc) =	sbr.rel $0x88, $3  }
0x1: {  	(tag) =	ssettag $0x0;
	lr =	simm.s32 $0x1  }
0x2: {  	[smem:$0x3F9B] =	sst lr;
	_ =	strace $0xD0000000  }
0x3: {  	_ = 	snop  }
0x4: {  	_ = 	snop  }
0x5: {  	_ = 	snop  }
0x6: {  	_ = 	snop  }
0x7: {  	_ = 	snop  }
__scs_overlays_trampoline_lowered:
0x8: {  	[smem:$0x3FAA] =	sst s0  }
0x9: {  	[smem:$0x3FAB] =	sst s1  }
0xa: {  	[smem:$0x3FAC] =	sst s2  }
0xb: {  	[smem:$0x3FAD] =	sst s3  }
0xc: {  	[smem:$0x3FAE] =	sst s4  }
0xd: {  	[smem:$0x3FAF] =	sst s5  }
0xe: {  	[smem:$0x3FB0] =	sst s6  }
0xf: {  	[smem:$0x3FB1] =	sst s7  }
0x10: {  	[smem:$0x3FB2] =	sst s8  }
0x11: {  	[smem:$0x3FB3] =	sst s9;
	s0 =	simm.s32 @!p0 $0x0  }
0x12: {  	s1 =	sld [smem:$0x3F99];
	s0 =	simm.s32 @p0 $0x1  }
0x13: {  	[smem:$0x3FB4] =	sst s0;
	s0 =	simm.s32 @!p1 $0x0  }
0x14: {  	s2 =	sld [smem:$0x3F98];
	s0 =	simm.s32 @p1 $0x1  }
0x15: {  	[smem:$0x3FB5] =	sst s0;
	s0 =	simm.s32 @!p2 $0x0  }
0x16: {  	s3 =	sld [smem:$0x3FDB];
	s0 =	simm.s32 @p2 $0x1  }
0x17: {  	s4 =	simm.s32 $0x1BF5;
	[smem:$0x3FB7] =	sst s0  }
0x18: {  	s0 =	sld [smem:$0x3F9A];
	_ =	swait.ge [sflag:s4], $0x0  }
0x19: {  	s7 =	sld [smem:$0x3F9B]  }
0x1a: {  	s8 =	sadd.s32 $0xFFFFE003, lr  }
0x1b: {  	s9 =	sadd.s32 $0xFFFFFEF7, lr;
	s5 =	simm.s32 $0xFFFFFFFF;
	p2 =	slt.u32 s8, $0xFFFFF086  }
0x1c: {  	p1 =	slt.u32 s9, $0xF7A;
	s5 =	simm.s32 @!p2 $0x0  }
0x1d: {  	s5 =	simm.s32 @p1 $0x1;
	p0 =	seq.s32 s7, s2  }
0x1e: {  	s7 =	smul.u32 @!p0 $0xF7A, s2;
	p2 =	seq.s32 @!p0 s5, $0x0  }
0x1f: {  	s9 =	smul.u32 $0xF7A, s1;
	s8 =	simm.s32 @!p0 $0x1BF5;
	p2 =	por !p2, p0  }
0x20: {  	[sflag:s8] =	ssyncset.s32 @!p0 $0xFFFFF086;
	s6 =	sadd.s32 @!p0 s3, s7;
	s7 =	simm.s32 @!p0 $0x108  }
0x21: {  	s3 =	sadd.s32 s3, s9;
	s6 =	sadd.s32 @!p0 $0x88, s6;
	s7 =	simm.s32 @p2 $0x1082  }
0x22: {  	[simem:s7], [sflag:s8] =	dma.local @!p0 [hbm:s6], $0xF7A  }
0x23: {  	s9 =	sor.u32 $0xD0000000, s2;
	s6 =	simm.s32 $0x108;
	_ =	swait.ge @!p0 [sflag:s8], $0x0  }
0x24: {  	s3 =	sadd.s32 $0x88, s3;
	s6 =	simm.s32 @!p1 $0x1082;
	[sflag:s4] =	ssyncset.s32 $0xFFFFF086  }
0x25: {  	[simem:s6], [sflag:s4] =	dma.local [hbm:s3], $0xF7A  }
0x26: {  	[smem:$0x3F9B] =	sst s1;
	(tag) =	ssettag s2;
	_ =	strace s9  }
0x27: {  	s1 =	sld [smem:$0x3FAB]  }
0x28: {  	s2 =	sld [smem:$0x3FAC]  }
0x29: {  	s4 =	sld [smem:$0x3FAE]  }
0x2a: {  	p0 =	seq.s32 s5, $0x0;
	s5 =	sld [smem:$0x3FAF]  }
0x2b: {  	s6 =	sld [smem:$0x3FB0]  }
0x2c: {  	s7 =	sld [smem:$0x3FB1]  }
0x2d: {  	s3 =	simm.s32 $0x108;
	s8 =	sld [smem:$0x3FB2]  }
0x2e: {  	s3 =	simm.s32 @!p0 $0x1082;
	s9 =	sld [smem:$0x3FB3]  }
0x2f: {  	lr =	sadd.s32 s0, s3;
	s0 =	sld [smem:$0x3FAA]  }
0x30: {  	s3 =	sld [smem:$0x3FAD]  }
0x31: {  	[smem:$0x3FB6] =	sst s10  }
0x32: {  	s10 =	sld [smem:$0x3FB4];
	_ =	sdelay $0x3  }
0x33: {  	p0 =	seq.s32 s10, $0x1;
	s10 =	sld [smem:$0x3FB6];
	_ =	sdelay $0x3  }
0x34: {  	[smem:$0x3FB6] =	sst s10  }
0x35: {  	s10 =	sld [smem:$0x3FB5];
	_ =	sdelay $0x3  }
0x36: {  	p1 =	seq.s32 s10, $0x1;
	s10 =	sld [smem:$0x3FB6];
	_ =	sdelay $0x3  }
0x37: {  	[smem:$0x3FB6] =	sst s10  }
0x38: {  	s10 =	sld [smem:$0x3FB7]  }
0x39: {  	_ = 	snop;
	(pc) =	sbr.ind lr, $3  }
0x3a: {  	_ = 	snop  }
0x3b: {  	_ = 	snop  }
0x3c: {  	p2 =	seq.s32 s10, $0x1;
	s10 =	sld [smem:$0x3FB6]  }
0x3d: {  	_ =	shalt  }
0x3e: {  	_ =	shalt  }
0x3f: {  	_ =	shalt  }
0x40: {  	_ =	shalt  }
0x41: {  	_ =	shalt  }
0x42: {  	_ =	shalt  }
0x43: {  	_ =	shalt  }
0x44: {  	_ =	shalt  }
0x45: {  	_ =	shalt  }
0x46: {  	_ =	shalt  }
0x47: {  	_ =	shalt  }
0x48: {  	_ =	shalt  }
0x49: {  	_ =	shalt  }
0x4a: {  	_ =	shalt  }
0x4b: {  	_ =	shalt  }
0x4c: {  	_ =	shalt  }
0x4d: {  	_ =	shalt  }
0x4e: {  	_ =	shalt  }
0x4f: {  	_ =	shalt  }
0x50: {  	_ =	shalt  }
0x51: {  	_ =	shalt  }
0x52: {  	_ =	shalt  }
0x53: {  	_ =	shalt  }
0x54: {  	_ =	shalt  }
0x55: {  	_ =	shalt  }
0x56: {  	_ =	shalt  }
0x57: {  	_ =	shalt  }
0x58: {  	_ =	shalt  }
0x59: {  	_ =	shalt  }
0x5a: {  	_ =	shalt  }
0x5b: {  	_ =	shalt  }
0x5c: {  	_ =	shalt  }
0x5d: {  	_ =	shalt  }
0x5e: {  	_ =	shalt  }
0x5f: {  	_ =	shalt  }
0x60: {  	_ =	shalt  }
0x61: {  	_ =	shalt  }
0x62: {  	_ =	shalt  }
0x63: {  	_ =	shalt  }
0x64: {  	_ =	shalt  }
0x65: {  	_ =	shalt  }
0x66: {  	_ =	shalt  }
0x67: {  	_ =	shalt  }
0x68: {  	_ =	shalt  }
0x69: {  	_ =	shalt  }
0x6a: {  	_ =	shalt  }
0x6b: {  	_ =	shalt  }
0x6c: {  	_ =	shalt  }
0x6d: {  	_ =	shalt  }
0x6e: {  	_ =	shalt  }
0x6f: {  	_ =	shalt  }
0x70: {  	_ =	shalt  }
0x71: {  	_ =	shalt  }
0x72: {  	_ =	shalt  }
0x73: {  	_ =	shalt  }
0x74: {  	_ =	shalt  }
0x75: {  	_ =	shalt  }
0x76: {  	_ =	shalt  }
0x77: {  	_ =	shalt  }
0x78: {  	_ =	shalt  }
0x79: {  	_ =	shalt  }
0x7a: {  	_ =	shalt  }
0x7b: {  	_ =	shalt  }
0x7c: {  	_ =	shalt  }
0x7d: {  	_ =	shalt  }
0x7e: {  	_ =	shalt  }
0x7f: {  	_ =	shalt  }
0x80: {  	_ =	shalt  }
0x81: {  	_ =	shalt  }
0x82: {  	_ =	shalt  }
0x83: {  	_ =	shalt  }
0x84: {  	_ =	shalt  }
0x85: {  	_ =	shalt  }
0x86: {  	_ =	shalt  }
0x87: {  	_ =	shalt  }
.Lfunc_end0:
.L_simem_size_0:
called_computation.3_lowered:
.L_overlay_start_0:
0x88: {  	s2 =	sld [smem:$0x3FD9]  }
0x89: {  	s3 =	sld [smem:$0x3FFE];
	_ =	sdelay $0x1  }
0x8a: {  	s1 =	srdreg.scid  }
0x8b: {  	s0 =	sand.u32 $0x1, s1  }
0x8c: {  	s17 =	sshll.u32 s0, $0xA;
	s2 =	sadd.s32 s3, s2  }
0x8d: {  	s2 =	sadd.s32 s2, s17  }
0x8e: {  	[smem:$0x3FC2] =	sst s2  }
0x8f: {  	_ = 	snop  }
0x90: {  	s18 =	sld [smem:$0x3FC8];
	(tm) =	ssettm $0x1  }
0x91: {  	s19 =	sld [smem:$0x3FFB];
	_ =	sdelay $0x3  }
0x92: {  	_ =	strace s19  }
0x93: {  	s2 =	sld [smem:$0x3FFC];
	_ =	sdelay $0x3  }
0x94: {  	_ =	strace s2  }
0x95: {  	s2 =	sld [smem:$0x3FFD];
	_ =	sdelay $0x3  }
0x96: {  	_ =	strace s2  }
0x97: {  	_ =	strace $0x8FFFFFFF  }
0x98: {  	s20 =	sld [smem:$0x3FDB];
	_ =	sdelay $0x1  }
0x99: {  	s4 =	simm.s32 $_scs_section_size  }
0x9a: {  	s5 =	simm.s32 $_size__tile_overlayer_lowered;
	s6 =	simm.s32 $_tile_overlayer_lowered  }
0x9b: {  	s7 =	simm.s32 $0x1BFF;
	s21 =	sshll.u32 s6, $0x1;
	s4 =	sadd.s32 s4, s20  }
0x9c: {  	s22 =	simm.s32 $0x0;
	s5 =	sshll.u32 s5, $0x1;
	s6 =	sadd.s32 s21, s4  }
0x9d: {  	[timem:s22], [sflag:s7] =	dma.local [hbm:s6], s5  }
0x9e: {  	_ =	swait.ge [sflag:s7], s5  }
0x9f: {  	s5 =	ssub.s32 $0x0, s5;
	[sflag:s7] =	ssyncset.done $0x0  }
0xa0: {  	[sflag:s7] =	ssyncadd.s32 s5;
	_ =	sdelay $0x1  }
0xa1: {  	s23 =	simm.s32 $0x1B8B  }
0xa2: {  	_ =	swait.ge [sflag:s23], $0x1  }
0xa3: {  	[sflag:s23] =	ssyncset.done $0x0  }
0xa4: {  	[sflag:s23] =	ssyncadd.s32 $0xFFFFFFFF  }
0xa5: {  	s5 =	sld [smem:$0x0]  }
0xa6: {  	s6 =	sand.u32 $0xFFFFFFFE, s1  }
0xa7: {  	p0 =	sne.s32 s1, s6  }
0xa8: {  	s6 =	sshll.u32 @p0 s6, $0xE  }
0xa9: {  	s6 =	sadd.s32 @p0 $0x11B8D, s6;
	s7 =	sshll.u32 @p0 s5, $0x11  }
0xaa: {  	s6 =	sor.u32 @p0 s7, s6  }
0xab: {  	[sflag:s6] =	ssyncadd.remote.s32 @p0 $0x1;
	_ =	sdelay $0x1  }
0xac: {  	s6 =	simm.s32 @p0 $0x1B8D  }
0xad: {  	_ =	swait.eq @p0 [sflag:s6], $0x1  }
0xae: {  	[sflag:s6] =	ssyncadd.s32 @p0 $0xFFFFFFFF  }
0xaf: {  	s7 =	sshll.u32 @!p0 s1, $0xE  }
0xb0: {  	s7 =	sor.u32 @!p0 $0x4000, s7;
	s6 =	simm.s32 @!p0 $0x1B8D  }
0xb1: {  	s5 =	sshll.u32 @!p0 s5, $0x11;
	s7 =	sadd.s32 @!p0 $0x11B8D, s7;
	_ =	swait.eq @!p0 [sflag:s6], $0x1  }
0xb2: {  	s5 =	sor.u32 @!p0 s5, s7;
	[sflag:s6] =	ssyncadd.s32 @!p0 $0xFFFFFFFF  }
0xb3: {  	s25 =	simm.s32 $0x1B8E;
	s24 =	sld [smem:$0x3FFE];
	[sflag:s5] =	ssyncadd.remote.s32 @!p0 $0x1  }
0xb4: {  	s26 =	simm.s32 $execute0_lowered;
	[smem:$0x3FD2] =	sst s25  }
0xb5: {  	s6 =	sshll.u32 s26, $0x1;
	_ =	strace $0x8000004F;
	[dreg:$0x1] =	wrdreg $0xFFFFFFFF  }
0xb6: {  	s28 =	simm.s32 $_size_execute0_lowered;
	s4 =	sadd.s32 s4, s6;
	[dreg:$0x0] =	wrdreg $0x0  }
0xb7: {  	s6 =	sshll.u32 s28, $0x1;
	[dreg:$0x2] =	wrdreg s4  }
0xb8: {  	[dreg:$0x3] =	wrdreg s6  }
0xb9: {  	[dreg:$0x4] =	wrdreg $0xC0  }
0xba: {  	_ =	task [dreg:s22], $0x5FFFF  }
0xbb: {  	[dreg:$0x1] =	wrdreg $0xFFFFFFFF  }
0xbc: {  	[dreg:$0x0] =	wrdreg $0x60  }
0xbd: {  	[dreg:$0x2] =	wrdreg s24  }
0xbe: {  	[dreg:$0x3] =	wrdreg s18  }
0xbf: {  	[dreg:$0x4] =	wrdreg $0xC  }
0xc0: {  	_ =	task.clear_ibuf [dreg:s22], $0x5FFFF;
	_ =	strace $0x9000004F  }
0xc1: {  	s29 =	simm.s32 $0xC;
	_ =	strace $0x80000051  }
0xc2: {  	_ =	swait.ge [sflag:s29], $0x1  }
0xc3: {  	[sflag:s29] =	ssyncadd.s32 $0xFFFFFFFF  }
0xc4: {  	_ =	strace $0x90000051  }
0xc5: {  	_ =	sfence  }
0xc6: {  	s30 =	sld [smem:$0x0];
	_ =	sdelay $0x2  }
0xc7: {  	s31 =	sshll.u32 s1, $0xD;
	s1 =	sshrl.u32 s1, $0x2  }
0xc8: {  	s4 =	sand.u32 $0x4000, s31;
	s1 =	sadd.s32 s1, s30  }
0xc9: {  	s0 =	sor.u32 s4, s0;
	s1 =	sshll.u32 s1, $0x11  }
0xca: {  	s0 =	sor.u32 s1, s0  }
0xcb: {  	s0 =	sadd.s32 $0x8F2B, s0  }
0xcc: {  	[sflag:s0] =	ssyncadd.remote.s32 $0x1  }
0xcd: {  	_ =	sfence.sel $0xFFFF  }
0xce: {  	[dreg:$0x0] =	wrdreg $0xFFFFFFFF;
	(pc) =	sbr.abs _section_cstart, $3  }
0xcf: {  	[dreg:$0x1] =	wrdreg $0xFFFFFFFF  }
0xd0: {  	_ =	task.clear_ibuf [dreg:s22], $0x2FFFF;
	_ =	strace $0x9FFFFFFF  }
0xd1: {  	(tm) =	ssettm $0x7FFFFFFF  }
tec
execute0_lowered:
.L_overlay_start_1:
0x0: {  	(tag) =	ssettag $0x1  }
0x1: {  	s0 =	srdreg.scid;
	s5 =	stileid.u32  }
0x2: {  	s0 =	sand.u32 $0x1, s0;
	s1 =	smul.u32 $0x500, s5  }
0x3: {  	s4 =	rddreg [dreg:$0x0];
	s3 =	simm.s32 $0x0;
	s2 =	smul.u32 $0x280, s0  }
0x4: {  	[smem:$0x7FF] =	sst s3  }
0x5: {  	s19 =	simm.s32 $0xA80;
	s1 =	sadd.s32 s2, s1;
	s2 =	rddreg [dreg:$0x1]  }
0x6: {  	s20 =	simm.s32 $0x1280;
	_ =	strace $0x80000050;
	[dreg:$0x4] =	wrdreg s19  }
0x7: {  	s21 =	simm.s32 $0x1A80;
	[dreg:$0x5] =	wrdreg s20  }
0x8: {  	s22 =	simm.s32 $0x2280;
	[dreg:$0x6] =	wrdreg s21  }
0x9: {  	s23 =	simm.s32 $0x2A80;
	[dreg:$0x7] =	wrdreg s22  }
0xa: {  	s24 =	simm.s32 $0x3280;
	[dreg:$0x8] =	wrdreg s23  }
0xb: {  	s25 =	simm.s32 $0x3A80;
	[dreg:$0x9] =	wrdreg s24  }
0xc: {  	s26 =	simm.s32 $0x4280;
	[dreg:$0xa] =	wrdreg s25  }
0xd: {  	s6 =	simm.s32 $0x4A80;
	[dreg:$0xb] =	wrdreg s26  }
0xe: {  	s7 =	simm.s32 $0x5280;
	[dreg:$0xc] =	wrdreg s6  }
0xf: {  	s8 =	simm.s32 $0x5A80;
	[dreg:$0xd] =	wrdreg s7  }
0x10: {  	s9 =	simm.s32 $0x6280;
	[dreg:$0xe] =	wrdreg s8  }
0x11: {  	s10 =	simm.s32 $0x6A80;
	[dreg:$0xf] =	wrdreg s9  }
0x12: {  	s11 =	simm.s32 $0x7280;
	[dreg:$0x10] =	wrdreg s10  }
0x13: {  	s12 =	simm.s32 $0x7A80;
	[dreg:$0x11] =	wrdreg s11  }
0x14: {  	s13 =	simm.s32 $0x8280;
	s14 =	simm.s32 $0x8A80;
	[dreg:$0x12] =	wrdreg s12  }
0x15: {  	s15 =	simm.s32 $0x9280;
	s16 =	simm.s32 $0x9A80;
	[dreg:$0x13] =	wrdreg s13  }
0x16: {  	s17 =	simm.s32 $0xA280;
	s18 =	simm.s32 $0xAA80;
	[dreg:$0x14] =	wrdreg s14  }
0x17: {  	s28 =	simm.s32 $0x17280;
	s29 =	simm.s32 $0x17A80;
	[dreg:$0x15] =	wrdreg s15  }
0x18: {  	s30 =	simm.s32 $0x1;
	s5 =	sshll.u32 s5, $0x1;
	[dreg:$0x16] =	wrdreg s16  }
0x19: {  	s31 =	simm.s32 $0x0;
	s5 =	sor.u32 s0, s5;
	[dreg:$0x17] =	wrdreg s17  }
0x1a: {  	s0 =	ssub.s32 $0x2, s0;
	s5 =	smul.u32 $0x280, s5;
	[dreg:$0x18] =	wrdreg s18  }
0x1b: {  	s19 =	simm.s32 $0xB280;
	s20 =	sshrl.u32 s0, $0x1;
	s21 =	simm.s32 $0xBA80  }
0x1c: {  	s22 =	simm.s32 $0xC280;
	s23 =	simm.s32 $0xCA80;
	s24 =	simm.s32 $0xD280  }
0x1d: {  	s25 =	simm.s32 $0xDA80;
	s26 =	simm.s32 $0xE280;
	s8 =	simm.s32 $0x2  }
0x1e: {  	s9 =	simm.s32 $0x280;
	s10 =	simm.s32 $0xEA80;
	[dreg:$0x19] =	wrdreg s19  }
0x1f: {  	s11 =	simm.s32 $0xF280;
	s12 =	simm.s32 $0xFA80;
	[dreg:$0x1a] =	wrdreg s21  }
0x20: {  	s13 =	simm.s32 $0x10280;
	s14 =	simm.s32 $0x10A80;
	[dreg:$0x1b] =	wrdreg s22  }
0x21: {  	s15 =	simm.s32 $0x11280;
	s16 =	simm.s32 $0x11A80;
	[dreg:$0x1c] =	wrdreg s23  }
0x22: {  	s17 =	simm.s32 $0x12280;
	s18 =	simm.s32 $0x12A80;
	[dreg:$0x1d] =	wrdreg s24  }
0x23: {  	s1 =	sshrl.u32 s1, $0x3;
	s5 =	sshrl.u32 s5, $0x3;
	[dreg:$0x1e] =	wrdreg s25  }
0x24: {  	s0 =	ssub.s32 s0, s20;
	s6 =	sadd.s32 $0x200, s2;
	[dreg:$0x1f] =	wrdreg s26  }
0x25: {  	s19 =	simm.s32 $0x13280;
	s20 =	simm.s32 $0x13A80;
	s1 =	smul.u32 $0x300, s1  }
0x26: {  	s21 =	simm.s32 $0x14280;
	s22 =	simm.s32 $0x14A80;
	s23 =	simm.s32 $0x15280  }
0x27: {  	s24 =	simm.s32 $0x15A80;
	s0 =	smax.u32 s0, $0x1;
	s1 =	sadd.s32 s1, s4  }
0x28: {  	v2 =	vlaneseq.u32;
	[smem:$0x7FD] =	sst s0;
	s4 =	sadd.s32 s5, s4;
	s1 =	sadd.s32 $0x424A00, s1  }
0x29: {  	vm0 =	vmmov $0xffff;
	v1 =	vshrl.u32 v2, $0x3;
	s25 =	simm.s32 $0x16280;
	s4 =	sadd.s32 $0x424000, s4;
	[dreg:$0x3] =	wrdreg s1  }
0x2a: {  	v0 =	vand.u32 $0x7, v2;
	v2 =	vor.u32 $0x8, v2;
	v1 =	vmul.u32 $0x8, v1;
	s26 =	simm.s32 $0x16A80;
	s5 =	sadd.s32 $0x100, s2;
	[smem:$0x7FC] =	sst s4  }
.LBB2_1:
0x2b: {  	s0 =	sld [smem:$0x7FC];
	_ =	sdelay $0x2  }
0x2c: {  	[tilespmem:s3], [sflag:$0x2] =	stream.linear.gather [hbm4b:s0+s3], $0x280, $0x38;
	[tilespmem:$0x18280] =	vst v63  }
0x2d: {  	_ =	swait.ge [sflag:s8], $0x280  }
0x2e: {  	[sflag:s8] =	ssyncset.done $0x0  }
0x2f: {  	s1 =	simm.s32 $0x40;
	s0 =	simm.s32 $0x0;
	[sflag:s8] =	ssyncadd.s32 $0xFFFFFD80  }
.LBB2_2:
0x30: {  	v3 =	vld [tilespmem:s1+$0xFFFFFFC0];
	_ =	sdelay $0x4  }
0x31: {  	v4 =	vshrl.u32 v3, $0x3  }
0x32: {  	v4 =	vmul.u32 $0x30, v4  }
0x33: {  	v3 =	vand.u32 $0x7, v3  }
0x34: {  	v3 =	vor.u32 v3, v4  }
0x35: {  	v4 =	vperm.xlane v3, v0;
	_ =	sdelay $0x1  }
0x36: {  	v4 =	vadd.s32 v1, v4;
	_ =	sdelay $0x3  }
0x37: {  	v3 =	vperm.xlane v3, v2  }
0x38: {  	[tilespmem:s9], [sflag:$0x1] =	stream.indirect_vreg.gather [hbm4b:s2+s3], $0x80, v4, vm0, $0xb8;
	[tilespmem:$0x18280] =	vst v63  }
0x39: {  	s4 =	rddreg [dreg:$0x4];
	v3 =	vadd.s32 v1, v3  }
0x3a: {  	[tilespmem:s4], [sflag:$0x1] =	stream.indirect_vreg.gather [hbm4b:s5+s3], $0x80, v4, vm0, $0xb8;
	[tilespmem:$0x18280] =	vst v63  }
0x3b: {  	s7 =	rddreg [dreg:$0x5]  }
0x3c: {  	[tilespmem:s7], [sflag:$0x1] =	stream.indirect_vreg.gather [hbm4b:s6+s3], $0x80, v4, vm0, $0xb8;
	[tilespmem:$0x18280] =	vst v63  }
0x3d: {  	s4 =	rddreg [dreg:$0x6]  }
0x3e: {  	[tilespmem:s4], [sflag:$0x1] =	stream.indirect_vreg.gather [hbm4b:s2+s3], $0x80, v3, vm0, $0xb8;
	[tilespmem:$0x18280] =	vst v63  }
0x3f: {  	s7 =	rddreg [dreg:$0x7]  }
0x40: {  	[tilespmem:s7], [sflag:$0x1] =	stream.indirect_vreg.gather [hbm4b:s5+s3], $0x80, v3, vm0, $0xb8;
	[tilespmem:$0x18280] =	vst v63  }
0x41: {  	s4 =	rddreg [dreg:$0x8]  }
0x42: {  	[tilespmem:s4], [sflag:$0x1] =	stream.indirect_vreg.gather [hbm4b:s6+s3], $0x80, v3, vm0, $0xb8;
	[tilespmem:$0x18280] =	vst v63  }
0x43: {  	v3 =	vld [tilespmem:s1+$0xFFFFFFD0];
	_ =	sdelay $0x4  }
0x44: {  	v57 =	vshrl.u32 v3, $0x3  }
0x45: {  	v4 =	vmul.u32 $0x30, v57  }
0x46: {  	v3 =	vand.u32 $0x7, v3  }
0x47: {  	v3 =	vor.u32 v3, v4  }
0x48: {  	v4 =	vperm.xlane v3, v0;
	_ =	sdelay $0x1  }
0x49: {  	v4 =	vadd.s32 v1, v4;
	_ =	sdelay $0x3  }
0x4a: {  	s4 =	rddreg [dreg:$0x9];
	v3 =	vperm.xlane v3, v2  }
0x4b: {  	[tilespmem:s4], [sflag:$0x1] =	stream.indirect_vreg.gather [hbm4b:s2+s3], $0x80, v4, vm0, $0xb8;
	[tilespmem:$0x18280] =	vst v63  }
0x4c: {  	s7 =	rddreg [dreg:$0xa];
	v3 =	vadd.s32 v1, v3  }
0x4d: {  	[tilespmem:s7], [sflag:$0x1] =	stream.indirect_vreg.gather [hbm4b:s5+s3], $0x80, v4, vm0, $0xb8;
	[tilespmem:$0x18280] =	vst v63  }
0x4e: {  	s4 =	rddreg [dreg:$0xb]  }
0x4f: {  	[tilespmem:s4], [sflag:$0x1] =	stream.indirect_vreg.gather [hbm4b:s6+s3], $0x80, v4, vm0, $0xb8;
	[tilespmem:$0x18280] =	vst v63  }
0x50: {  	s7 =	rddreg [dreg:$0xc]  }
0x51: {  	[tilespmem:s7], [sflag:$0x1] =	stream.indirect_vreg.gather [hbm4b:s2+s3], $0x80, v3, vm0, $0xb8;
	[tilespmem:$0x18280] =	vst v63  }
0x52: {  	s4 =	rddreg [dreg:$0xd]  }
0x53: {  	[tilespmem:s4], [sflag:$0x1] =	stream.indirect_vreg.gather [hbm4b:s5+s3], $0x80, v3, vm0, $0xb8;
	[tilespmem:$0x18280] =	vst v63  }
0x54: {  	s7 =	rddreg [dreg:$0xe]  }
0x55: {  	[tilespmem:s7], [sflag:$0x1] =	stream.indirect_vreg.gather [hbm4b:s6+s3], $0x80, v3, vm0, $0xb8;
	[tilespmem:$0x18280] =	vst v63  }
0x56: {  	v3 =	vld [tilespmem:s1+$0xFFFFFFE0];
	_ =	sdelay $0x4  }
0x57: {  	v58 =	vshrl.u32 v3, $0x3  }
0x58: {  	v4 =	vmul.u32 $0x30, v58  }
0x59: {  	v3 =	vand.u32 $0x7, v3  }
0x5a: {  	v3 =	vor.u32 v3, v4  }
0x5b: {  	v4 =	vperm.xlane v3, v0;
	_ =	sdelay $0x1  }
0x5c: {  	v4 =	vadd.s32 v1, v4;
	_ =	sdelay $0x3  }
0x5d: {  	s4 =	rddreg [dreg:$0xf];
	v3 =	vperm.xlane v3, v2  }
0x5e: {  	[tilespmem:s4], [sflag:$0x1] =	stream.indirect_vreg.gather [hbm4b:s2+s3], $0x80, v4, vm0, $0xb8;
	[tilespmem:$0x18280] =	vst v63  }
0x5f: {  	s7 =	rddreg [dreg:$0x10];
	v3 =	vadd.s32 v1, v3  }
0x60: {  	[tilespmem:s7], [sflag:$0x1] =	stream.indirect_vreg.gather [hbm4b:s5+s3], $0x80, v4, vm0, $0xb8;
	[tilespmem:$0x18280] =	vst v63  }
0x61: {  	s4 =	rddreg [dreg:$0x11]  }
0x62: {  	[tilespmem:s4], [sflag:$0x1] =	stream.indirect_vreg.gather [hbm4b:s6+s3], $0x80, v4, vm0, $0xb8;
	[tilespmem:$0x18280] =	vst v63  }
0x63: {  	s7 =	rddreg [dreg:$0x12]  }
0x64: {  	[tilespmem:s7], [sflag:$0x1] =	stream.indirect_vreg.gather [hbm4b:s2+s3], $0x80, v3, vm0, $0xb8;
	[tilespmem:$0x18280] =	vst v63  }
0x65: {  	s4 =	rddreg [dreg:$0x13]  }
0x66: {  	[tilespmem:s4], [sflag:$0x1] =	stream.indirect_vreg.gather [hbm4b:s5+s3], $0x80, v3, vm0, $0xb8;
	[tilespmem:$0x18280] =	vst v63  }
0x67: {  	s7 =	rddreg [dreg:$0x14]  }
0x68: {  	[tilespmem:s7], [sflag:$0x1] =	stream.indirect_vreg.gather [hbm4b:s6+s3], $0x80, v3, vm0, $0xb8;
	[tilespmem:$0x18280] =	vst v63  }
0x69: {  	v3 =	vld [tilespmem:s1+$0xFFFFFFF0];
	_ =	sdelay $0x4  }
0x6a: {  	v59 =	vshrl.u32 v3, $0x3  }
0x6b: {  	v4 =	vmul.u32 $0x30, v59  }
0x6c: {  	v3 =	vand.u32 $0x7, v3  }
0x6d: {  	v3 =	vor.u32 v3, v4  }
0x6e: {  	v4 =	vperm.xlane v3, v0;
	_ =	sdelay $0x1  }
0x6f: {  	v4 =	vadd.s32 v1, v4;
	_ =	sdelay $0x3  }
0x70: {  	s4 =	rddreg [dreg:$0x15];
	v3 =	vperm.xlane v3, v2  }
0x71: {  	[tilespmem:s4], [sflag:$0x1] =	stream.indirect_vreg.gather [hbm4b:s2+s3], $0x80, v4, vm0, $0xb8;
	[tilespmem:$0x18280] =	vst v63  }
0x72: {  	s7 =	rddreg [dreg:$0x16];
	v3 =	vadd.s32 v1, v3  }
0x73: {  	[tilespmem:s7], [sflag:$0x1] =	stream.indirect_vreg.gather [hbm4b:s5+s3], $0x80, v4, vm0, $0xb8;
	[tilespmem:$0x18280] =	vst v63  }
0x74: {  	s4 =	rddreg [dreg:$0x17]  }
0x75: {  	[tilespmem:s4], [sflag:$0x1] =	stream.indirect_vreg.gather [hbm4b:s6+s3], $0x80, v4, vm0, $0xb8;
	[tilespmem:$0x18280] =	vst v63  }
0x76: {  	s7 =	rddreg [dreg:$0x18]  }
0x77: {  	[tilespmem:s7], [sflag:$0x1] =	stream.indirect_vreg.gather [hbm4b:s2+s3], $0x80, v3, vm0, $0xb8;
	[tilespmem:$0x18280] =	vst v63  }
0x78: {  	s4 =	rddreg [dreg:$0x19]  }
0x79: {  	[tilespmem:s4], [sflag:$0x1] =	stream.indirect_vreg.gather [hbm4b:s5+s3], $0x80, v3, vm0, $0xb8;
	[tilespmem:$0x18280] =	vst v63  }
0x7a: {  	s7 =	rddreg [dreg:$0x1a]  }
0x7b: {  	[tilespmem:s7], [sflag:$0x1] =	stream.indirect_vreg.gather [hbm4b:s6+s3], $0x80, v3, vm0, $0xb8;
	[tilespmem:$0x18280] =	vst v63  }
0x7c: {  	v3 =	vld [tilespmem:s1+$0x0];
	_ =	sdelay $0x4  }
0x7d: {  	v60 =	vshrl.u32 v3, $0x3  }
0x7e: {  	v4 =	vmul.u32 $0x30, v60  }
0x7f: {  	v3 =	vand.u32 $0x7, v3  }
0x80: {  	v3 =	vor.u32 v3, v4  }
0x81: {  	v4 =	vperm.xlane v3, v0;
	_ =	sdelay $0x1  }
0x82: {  	v4 =	vadd.s32 v1, v4;
	_ =	sdelay $0x3  }
0x83: {  	s4 =	rddreg [dreg:$0x1b];
	v3 =	vperm.xlane v3, v2  }
0x84: {  	[tilespmem:s4], [sflag:$0x1] =	stream.indirect_vreg.gather [hbm4b:s2+s3], $0x80, v4, vm0, $0xb8;
	[tilespmem:$0x18280] =	vst v63  }
0x85: {  	s7 =	rddreg [dreg:$0x1c];
	v3 =	vadd.s32 v1, v3  }
0x86: {  	[tilespmem:s7], [sflag:$0x1] =	stream.indirect_vreg.gather [hbm4b:s5+s3], $0x80, v4, vm0, $0xb8;
	[tilespmem:$0x18280] =	vst v63  }
0x87: {  	s4 =	rddreg [dreg:$0x1d]  }
0x88: {  	[tilespmem:s4], [sflag:$0x1] =	stream.indirect_vreg.gather [hbm4b:s6+s3], $0x80, v4, vm0, $0xb8;
	[tilespmem:$0x18280] =	vst v63  }
0x89: {  	s7 =	rddreg [dreg:$0x1e]  }
0x8a: {  	[tilespmem:s7], [sflag:$0x1] =	stream.indirect_vreg.gather [hbm4b:s2+s3], $0x80, v3, vm0, $0xb8;
	[tilespmem:$0x18280] =	vst v63  }
0x8b: {  	s4 =	rddreg [dreg:$0x1f]  }
0x8c: {  	[tilespmem:s4], [sflag:$0x1] =	stream.indirect_vreg.gather [hbm4b:s5+s3], $0x80, v3, vm0, $0xb8;
	[tilespmem:$0x18280] =	vst v63  }
0x8d: {  	_ = 	snop  }
0x8e: {  	[tilespmem:s10], [sflag:$0x1] =	stream.indirect_vreg.gather [hbm4b:s6+s3], $0x80, v3, vm0, $0xb8;
	[tilespmem:$0x18280] =	vst v63  }
0x8f: {  	v3 =	vld [tilespmem:s1+$0x10];
	_ =	sdelay $0x4  }
0x90: {  	v61 =	vshrl.u32 v3, $0x3  }
0x91: {  	v4 =	vmul.u32 $0x30, v61  }
0x92: {  	v3 =	vand.u32 $0x7, v3  }
0x93: {  	v3 =	vor.u32 v3, v4  }
0x94: {  	v4 =	vperm.xlane v3, v0;
	_ =	sdelay $0x1  }
0x95: {  	v4 =	vadd.s32 v1, v4;
	_ =	sdelay $0x3  }
0x96: {  	v3 =	vperm.xlane v3, v2  }
0x97: {  	[tilespmem:s11], [sflag:$0x1] =	stream.indirect_vreg.gather [hbm4b:s2+s3], $0x80, v4, vm0, $0xb8;
	[tilespmem:$0x18280] =	vst v63  }
0x98: {  	v3 =	vadd.s32 v1, v3  }
0x99: {  	[tilespmem:s12], [sflag:$0x1] =	stream.indirect_vreg.gather [hbm4b:s5+s3], $0x80, v4, vm0, $0xb8;
	[tilespmem:$0x18280] =	vst v63  }
0x9a: {  	_ = 	snop  }
0x9b: {  	[tilespmem:s13], [sflag:$0x1] =	stream.indirect_vreg.gather [hbm4b:s6+s3], $0x80, v4, vm0, $0xb8;
	[tilespmem:$0x18280] =	vst v63  }
0x9c: {  	_ = 	snop  }
0x9d: {  	[tilespmem:s14], [sflag:$0x1] =	stream.indirect_vreg.gather [hbm4b:s2+s3], $0x80, v3, vm0, $0xb8;
	[tilespmem:$0x18280] =	vst v63  }
0x9e: {  	_ = 	snop  }
0x9f: {  	[tilespmem:s15], [sflag:$0x1] =	stream.indirect_vreg.gather [hbm4b:s5+s3], $0x80, v3, vm0, $0xb8;
	[tilespmem:$0x18280] =	vst v63  }
0xa0: {  	_ = 	snop  }
0xa1: {  	[tilespmem:s16], [sflag:$0x1] =	stream.indirect_vreg.gather [hbm4b:s6+s3], $0x80, v3, vm0, $0xb8;
	[tilespmem:$0x18280] =	vst v63  }
0xa2: {  	v3 =	vld [tilespmem:s1+$0x20];
	_ =	sdelay $0x4  }
0xa3: {  	v62 =	vshrl.u32 v3, $0x3  }
0xa4: {  	v4 =	vmul.u32 $0x30, v62  }
0xa5: {  	v3 =	vand.u32 $0x7, v3  }
0xa6: {  	v3 =	vor.u32 v3, v4  }
0xa7: {  	v4 =	vperm.xlane v3, v0;
	_ =	sdelay $0x1  }
0xa8: {  	v4 =	vadd.s32 v1, v4;
	_ =	sdelay $0x3  }
0xa9: {  	v3 =	vperm.xlane v3, v2  }
0xaa: {  	[tilespmem:s17], [sflag:$0x1] =	stream.indirect_vreg.gather [hbm4b:s2+s3], $0x80, v4, vm0, $0xb8;
	[tilespmem:$0x18280] =	vst v63  }
0xab: {  	v3 =	vadd.s32 v1, v3  }
0xac: {  	[tilespmem:s18], [sflag:$0x1] =	stream.indirect_vreg.gather [hbm4b:s5+s3], $0x80, v4, vm0, $0xb8;
	[tilespmem:$0x18280] =	vst v63  }
0xad: {  	_ = 	snop  }
0xae: {  	[tilespmem:s19], [sflag:$0x1] =	stream.indirect_vreg.gather [hbm4b:s6+s3], $0x80, v4, vm0, $0xb8;
	[tilespmem:$0x18280] =	vst v63  }
0xaf: {  	_ = 	snop  }
0xb0: {  	[tilespmem:s20], [sflag:$0x1] =	stream.indirect_vreg.gather [hbm4b:s2+s3], $0x80, v3, vm0, $0xb8;
	[tilespmem:$0x18280] =	vst v63  }
0xb1: {  	_ = 	snop  }
0xb2: {  	[tilespmem:s21], [sflag:$0x1] =	stream.indirect_vreg.gather [hbm4b:s5+s3], $0x80, v3, vm0, $0xb8;
	[tilespmem:$0x18280] =	vst v63  }
0xb3: {  	_ = 	snop  }
0xb4: {  	[tilespmem:s22], [sflag:$0x1] =	stream.indirect_vreg.gather [hbm4b:s6+s3], $0x80, v3, vm0, $0xb8;
	[tilespmem:$0x18280] =	vst v63  }
0xb5: {  	v3 =	vld [tilespmem:s1+$0x30];
	_ =	sdelay $0x4  }
0xb6: {  	v63 =	vshrl.u32 v3, $0x3  }
0xb7: {  	v4 =	vmul.u32 $0x30, v63  }
0xb8: {  	v3 =	vand.u32 $0x7, v3  }
0xb9: {  	v3 =	vor.u32 v3, v4  }
0xba: {  	v4 =	vperm.xlane v3, v0;
	_ =	sdelay $0x1  }
0xbb: {  	v4 =	vadd.s32 v1, v4;
	_ =	sdelay $0x3  }
0xbc: {  	v3 =	vperm.xlane v3, v2  }
0xbd: {  	[tilespmem:s23], [sflag:$0x1] =	stream.indirect_vreg.gather [hbm4b:s2+s3], $0x80, v4, vm0, $0xb8;
	[tilespmem:$0x18280] =	vst v63  }
0xbe: {  	v3 =	vadd.s32 v1, v3  }
0xbf: {  	[tilespmem:s24], [sflag:$0x1] =	stream.indirect_vreg.gather [hbm4b:s5+s3], $0x80, v4, vm0, $0xb8;
	[tilespmem:$0x18280] =	vst v63  }
0xc0: {  	_ = 	snop  }
0xc1: {  	[tilespmem:s25], [sflag:$0x1] =	stream.indirect_vreg.gather [hbm4b:s6+s3], $0x80, v4, vm0, $0xb8;
	[tilespmem:$0x18280] =	vst v63  }
0xc2: {  	_ = 	snop  }
0xc3: {  	[tilespmem:s26], [sflag:$0x1] =	stream.indirect_vreg.gather [hbm4b:s2+s3], $0x80, v3, vm0, $0xb8;
	[tilespmem:$0x18280] =	vst v63  }
0xc4: {  	_ = 	snop  }
0xc5: {  	[tilespmem:s28], [sflag:$0x1] =	stream.indirect_vreg.gather [hbm4b:s5+s3], $0x80, v3, vm0, $0xb8;
	[tilespmem:$0x18280] =	vst v63  }
0xc6: {  	_ = 	snop  }
0xc7: {  	[tilespmem:s29], [sflag:$0x1] =	stream.indirect_vreg.gather [hbm4b:s6+s3], $0x80, v3, vm0, $0xb8;
	[tilespmem:$0x18280] =	vst v63  }
0xc8: {  	_ =	swait.ge [sflag:s30], $0x18000  }
0xc9: {  	p0 =	sne.s32 s0, $0xC000;
	s7 =	rddreg [dreg:$0x3];
	[sflag:s30] =	ssyncset.done $0x0  }
.Ltmp0:
0xca: {  	[sflag:s30] =	ssyncadd.s32 $0xFFFE8000;
	s4 =	sadd.s32 s0, s7;
	(pc) =	sbr.rel @p0 .LBB2_2-.Ltmp0, $4  }
0xcb: {  	[hbm4b:s4+s3] =	stream.linear.scatter [tilespmem:s9], [sflag:$0x2], $0x18000, $0x38;
	[tilespmem:$0x18280] =	vst v63  }
0xcc: {  	_ =	swait.ge [sflag:s8], $0x18000  }
0xcd: {  	[sflag:s8] =	ssyncset.done $0x0  }
0xce: {  	s1 =	sadd.s32 $0x80, s1;
	s0 =	sadd.s32 $0x3000, s0;
	[sflag:s8] =	ssyncadd.s32 $0xFFFE8000  }
0xcf: {  	s0 =	sld [smem:$0x7FD];
	_ =	sdelay $0x1  }
0xd0: {  	s31 =	sadd.s32 $0x1, s31  }
0xd1: {  	p0 =	sne.s32 s31, s0  }
.Ltmp1:
0xd2: {  	_ = 	snop;
	(pc) =	sbr.rel @p0 .LBB2_1-.Ltmp1, $1  }
0xd3: {  	_ =	sdelay $0x3  }
0xd4: {  	_ =	sfence.sel $0x180000  }
0xd5: {  	[bflag:$0x0] =	sbarrier.arrive $0xFFFF  }
0xd6: {  	_ =	strace $0x90000050  }
0xd7: {  	s0 =	stileid.u32;
	[bflag:$0x2] =	sbarrier.arrive $0xFFFF  }
0xd8: {  	p0 =	sne.s32 s0, $0x0;
	s0 =	rddreg [dreg:$0x2]  }
0xd9: {  	s0 =	sadd.s32 @!p0 $0x100000, s0  }
0xda: {  	[sflag:s0] =	ssyncadd.tile.s32 @!p0 $0x1;
	_ =	shalt  }
.Lfunc_end2:
_tile_overlayer_lowered:
.L_overlay_start_2:
0xdb: {  	(tag) =	ssettag $0x2  }
0xdc: {  	s0 =	rddreg [dreg:$0x0];
	s2 =	stileid.u32  }
0xdd: {  	s1 =	rddreg [dreg:$0x1];
	p0 =	sne.s32 s2, $0x0  }
0xde: {  	s3 =	rddreg [dreg:$0x2];
	[bflag:$0x3] =	sbarrier.arrive $0xFFFF;
	s2 =	simm.s32 @!p0 $0x1C02  }
0xdf: {  	[timem:s3], [sflag:s2] =	dma.local @!p0 [hbm:s0], s1  }
0xe0: {  	s0 =	simm.s32 @!p0 $0x2  }
0xe1: {  	_ =	swait.ge @!p0 [sflag:s0], s1  }
0xe2: {  	s1 =	ssub.s32 @!p0 $0x0, s1;
	[sflag:s0] =	ssyncset.done @!p0 $0x0  }
0xe3: {  	[sflag:s0] =	ssyncadd.s32 @!p0 s1  }
0xe4: {  	[bflag:$0x3] =	sbarrier.arrive $0xFFFF  }
0xe5: {  	_ =	shalt  }

</sc_bundles>
